<compile_context>
chip_gen: v7x
topology: tpu7x:2x2x1
jax: 0.10.2.dev20260603
libtpu: 0.0.44.dev20260713+nightly
codegen_flags: <defaults>
</compile_context>

<pallas_src>
import functools

import jax
import jax.numpy as jnp
from jax import lax
from jax.experimental import pallas as pl
from jax.experimental.pallas import tpu as pltpu
from jax.experimental.pallas import tpu_sc as plsc

N = 10000
IN = 128
HID = 128
OUT = 64
K = 10
ALPHA = 0.1
E = 320000

NT = 16
NPAD = 10240
ROWS_PT = NPAD // NT
CH = 128
NCH = ROWS_PT // CH
EB = 128
NBLK = 157
NROWS = NBLK
EPAD = NT * NROWS * EB
PADNODE = NPAD - 1

_F = 4


def _mlp_body(x_ref, w1_ref, b1_ref, w2_ref, b2_ref, o_ref):
    h = jnp.dot(x_ref[...], w1_ref[...], preferred_element_type=jnp.float32)
    h = jnp.maximum(h + b1_ref[...], 0.0)
    o_ref[...] = jnp.dot(h, w2_ref[...], preferred_element_type=jnp.float32) + b2_ref[...]


def _mlp(x, W1, b1, W2, b2):
    blk = 1000
    return pl.pallas_call(
        _mlp_body,
        grid=(N // blk,),
        in_specs=[
            pl.BlockSpec((blk, IN), lambda i: (i, 0)),
            pl.BlockSpec((IN, HID), lambda i: (0, 0)),
            pl.BlockSpec((1, HID), lambda i: (0, 0)),
            pl.BlockSpec((HID, OUT), lambda i: (0, 0)),
            pl.BlockSpec((1, OUT), lambda i: (0, 0)),
        ],
        out_specs=pl.BlockSpec((blk, OUT), lambda i: (i, 0)),
        out_shape=jax.ShapeDtypeStruct((N, OUT), jnp.float32),
    )(x, W1, b1, W2, b2)


def _rsqrt16(x):
    y = jnp.where(x >= 65536.0, x * 0.00390625,
                  jnp.where(x >= 256.0, x * 0.0625,
                            jnp.where(x >= 4.0, x * 0.5, x)))
    for _ in range(8):
        y = 0.5 * (y + x / y)
    return 1.0 / y


def _splat(ref1d, idx):
    return plsc.load_gather(ref1d, [jnp.full((16,), idx, jnp.int32)])


def _appnp_body(h0_hbm, src_hbm, dst_hbm, out_hbm, g_hbm,
                src_v, dst_v, rowsA, accc, gc, h0c, zc, degl, dinvl,
                ones, gsA, gsB, gsC, ssA, ssB, ssC, ash, degsh):
    w = lax.axis_index("s")
    nbase = w * ROWS_PT

    pltpu.sync_copy(src_hbm.at[w], src_v)
    pltpu.sync_copy(dst_hbm.at[w], dst_v)

    def _fill_ones(i, c):
        ones[pl.ds(i * 16, 16)] = jnp.full((16,), 1.0, jnp.float32)
        return c
    lax.fori_loop(0, EB // 16, _fill_ones, 0)

    def _zero_dinvl(i, c):
        dinvl[pl.ds(i * 16, 16)] = jnp.zeros((16,), jnp.float32)
        return c
    lax.fori_loop(0, ROWS_PT // 16, _zero_dinvl, 0)
    pltpu.sync_copy(dinvl, degsh.at[pl.ds(nbase, ROWS_PT)])

    def _zero_zc(r, c):
        for f in range(_F):
            zc[r, pl.ds(f * 16, 16)] = jnp.zeros((16,), jnp.float32)
        return c
    lax.fori_loop(0, CH, _zero_zc, 0)

    def _zero_acc(c, carry):
        pltpu.sync_copy(zc, ash.at[pl.ds(nbase + c * CH, CH)])
        return carry
    lax.fori_loop(0, NCH, _zero_acc, 0)
    plsc.subcore_barrier()

    def _deg_blk(j, cc):
        pltpu.sync_copy(ones, degsh.at[dst_v.at[j]], add=True)
        return cc
    lax.fori_loop(0, NBLK, _deg_blk, 0)
    plsc.subcore_barrier()

    pltpu.sync_copy(degsh.at[pl.ds(nbase, ROWS_PT)], degl)

    def _scalars(i, c):
        s = pl.ds(i * 16, 16)
        d = degl[s] + 1.0
        degl[s] = d
        dinvl[s] = _rsqrt16(d)
        return c
    lax.fori_loop(0, ROWS_PT // 16, _scalars, 0)

    def _g_init(c, carry):
        base = nbase + c * CH
        pltpu.sync_copy(h0_hbm.at[pl.ds(base, CH)], h0c)

        def _row(r, cc):
            dv = _splat(dinvl, c * CH + r)
            for f in range(_F):
                s = pl.ds(f * 16, 16)
                gc[r, s] = dv * h0c[r, s]
            return cc
        lax.fori_loop(0, CH, _row, 0)
        pltpu.sync_copy(gc, g_hbm.at[pl.ds(base, CH)])
        return carry
    lax.fori_loop(0, NCH, _g_init, 0)
    plsc.subcore_barrier()

    def _gather_start(j, buf, sem):
        pltpu.async_copy(g_hbm.at[src_v.at[j]], buf, sem)

    def _gather_wait(j, buf, sem):
        pltpu.make_async_copy(g_hbm.at[src_v.at[j]], buf, sem).wait()

    def _scatter_start(j, buf, sem):
        pltpu.async_copy(buf, ash.at[dst_v.at[j]], sem, add=True)

    def _scatter_wait(j, buf, sem):
        pltpu.make_async_copy(buf, ash.at[dst_v.at[j]], sem).wait()

    def _gather_start(j, buf, sem):
        pltpu.async_copy(g_hbm.at[src_v.at[j]], buf, sem)

    def _gather_wait(j, buf, sem):
        pltpu.make_async_copy(g_hbm.at[src_v.at[j]], buf, sem).wait()

    def _scatter_start(j, buf, sem):
        pltpu.async_copy(buf, ash.at[dst_v.at[j]], sem, add=True)

    def _scatter_wait(j, buf, sem):
        pltpu.make_async_copy(buf, ash.at[dst_v.at[j]], sem).wait()

    ebufs = (rowsA, accc, gc)
    gsems = (gsA, gsB, gsC)
    ssems = (ssA, ssB, ssC)
    NT3 = (NBLK - 1) // 3

    def _step(t, carry):
        for b in range(3):
            _gather_start(b, ebufs[b], gsems[b])

        def _triple(q, cc):
            j = 3 * q
            for b in range(3):
                _gather_wait(j + b, ebufs[b], gsems[b])
                _scatter_start(j + b, ebufs[b], ssems[b])
            for b in range(3):
                _scatter_wait(j + b, ebufs[b], ssems[b])
                _gather_start(jnp.minimum(j + b + 3, NBLK - 2), ebufs[b],
                              gsems[b])
            return cc
        lax.fori_loop(0, NT3, _triple, 0)
        for b in range(3):
            _gather_wait(NBLK - 2, ebufs[b], gsems[b])
        for j in range(3 * NT3, NBLK):
            pltpu.sync_copy(g_hbm.at[src_v.at[j]], rowsA)
            pltpu.sync_copy(rowsA, ash.at[dst_v.at[j]], add=True)
        plsc.subcore_barrier()
        plsc.subcore_barrier()

        def _upd(c, cc):
            base = nbase + c * CH
            pltpu.sync_copy(ash.at[pl.ds(base, CH)], accc)
            pltpu.sync_copy(g_hbm.at[pl.ds(base, CH)], gc)
            pltpu.sync_copy(h0_hbm.at[pl.ds(base, CH)], h0c)
            pltpu.sync_copy(zc, ash.at[pl.ds(base, CH)])

            def _row(r, c3):
                dv = _splat(dinvl, c * CH + r)
                c2 = (1.0 - ALPHA) * dv * dv
                a2 = ALPHA * dv
                for f in range(_F):
                    s = pl.ds(f * 16, 16)
                    gc[r, s] = c2 * (accc[r, s] + gc[r, s]) + a2 * h0c[r, s]
                return c3
            lax.fori_loop(0, CH, _row, 0)
            pltpu.sync_copy(gc, g_hbm.at[pl.ds(base, CH)])
            return cc
        lax.fori_loop(0, NCH, _upd, 0)
        plsc.subcore_barrier()
        return carry
    lax.fori_loop(0, K, _step, 0)

    def _out(c, carry):
        base = nbase + c * CH
        pltpu.sync_copy(g_hbm.at[pl.ds(base, CH)], gc)

        def _row(r, cc):
            dv = _splat(dinvl, c * CH + r)
            dp = _splat(degl, c * CH + r)
            s0 = dv * dp
            for f in range(_F):
                s = pl.ds(f * 16, 16)
                gc[r, s] = gc[r, s] * s0
            return cc
        lax.fori_loop(0, CH, _row, 0)
        pltpu.sync_copy(gc, out_hbm.at[pl.ds(base, CH)])
        return carry
    lax.fori_loop(0, NCH, _out, 0)


_appnp = functools.partial(
    pl.kernel,
    mesh=plsc.VectorSubcoreMesh(core_axis_name="c", subcore_axis_name="s",
                                num_cores=1),
    compiler_params=pltpu.CompilerParams(needs_layout_passes=False,
                                         use_tc_tiling_on_sc=False),
    out_type=(jax.ShapeDtypeStruct((NPAD, OUT), jnp.float32),
              jax.ShapeDtypeStruct((NPAD, OUT), jnp.float32)),
    scratch_types=[
        pltpu.VMEM((NROWS, EB), jnp.int32),
        pltpu.VMEM((NROWS, EB), jnp.int32),
        pltpu.VMEM((EB, OUT), jnp.float32),
        pltpu.VMEM((CH, OUT), jnp.float32),
        pltpu.VMEM((CH, OUT), jnp.float32),
        pltpu.VMEM((CH, OUT), jnp.float32),
        pltpu.VMEM((CH, OUT), jnp.float32),
        pltpu.VMEM((ROWS_PT,), jnp.float32),
        pltpu.VMEM((ROWS_PT,), jnp.float32),
        pltpu.VMEM((EB,), jnp.float32),
        pltpu.SemaphoreType.DMA,
        pltpu.SemaphoreType.DMA,
        pltpu.SemaphoreType.DMA,
        pltpu.SemaphoreType.DMA,
        pltpu.SemaphoreType.DMA,
        pltpu.SemaphoreType.DMA,
        pltpu.VMEM_SHARED((NPAD, OUT), jnp.float32),
        pltpu.VMEM_SHARED((NPAD,), jnp.float32),
    ],
)(_appnp_body)


def kernel(x, edge_index, W1, b1, W2, b2):
    h0 = _mlp(x, W1, b1.reshape(1, HID), W2, b2.reshape(1, OUT))
    h0p = jnp.zeros((NPAD, OUT), jnp.float32).at[:N].set(h0)
    padt = jnp.full((NT, NROWS * EB - E // NT), PADNODE, jnp.int32)
    src3 = jnp.concatenate([edge_index[0].reshape(NT, E // NT), padt],
                           axis=1).reshape(NT, NROWS, EB)
    dst3 = jnp.concatenate([edge_index[1].reshape(NT, E // NT), padt],
                           axis=1).reshape(NT, NROWS, EB)
    out, _ = _appnp(h0p, src3, dst3)
    return out[:N]

# --- scband reference (transcript-rebuilt; emitter-appended) ---
"""Pipeline reference for scband-appnp-model-5342939316768 (READ-ONLY COPY).

The authoritative reference and input builder live on the scoring server;
editing this copy changes nothing except your own understanding.
"""

import jax, jax.numpy as jnp
import numpy as np

N = 10000
E = 320000
IN = 128
HID = 128
OUT = 64
K = 10
ALPHA = 0.1


def setup_inputs(seed: int = 0) -> dict:
    key = jax.random.key(seed)
    k1, k2, k3, k4, k5, k6 = jax.random.split(key, 6)
    x = jax.random.normal(k1, (N, IN), dtype=jnp.float32)
    edge_index = jax.random.randint(k2, (2, E), 0, N, dtype=jnp.int32)
    W1 = jax.random.normal(k3, (IN, HID), dtype=jnp.float32) * (1.0 / np.sqrt(IN))
    b1 = jnp.zeros((HID,), dtype=jnp.float32)
    W2 = jax.random.normal(k4, (HID, OUT), dtype=jnp.float32) * (1.0 / np.sqrt(HID))
    b2 = jnp.zeros((OUT,), dtype=jnp.float32)
    return {"x": x, "edge_index": edge_index, "W1": W1, "b1": b1, "W2": W2, "b2": b2}


def reference(x, edge_index, W1, b1, W2, b2):
    # MLP part (dropout is identity in eval mode)
    h = jnp.maximum(x @ W1 + b1, 0.0)
    h = h @ W2 + b2
    # APPNP propagation with GCN normalization and added self-loops
    src = edge_index[0]
    dst = edge_index[1]
    loop = jnp.arange(N, dtype=edge_index.dtype)
    src = jnp.concatenate([src, loop])
    dst = jnp.concatenate([dst, loop])
    w = jnp.ones(src.shape[0], dtype=h.dtype)
    deg = jax.ops.segment_sum(w, dst, num_segments=N)
    dinv = jnp.where(deg > 0, jax.lax.rsqrt(jnp.maximum(deg, 1e-12)), 0.0)
    norm = dinv[src] * dinv[dst]
    h0 = h
    for _ in range(K):
        m = h[src] * norm[:, None]
        agg = jax.ops.segment_sum(m, dst, num_segments=N)
        h = (1.0 - ALPHA) * agg + ALPHA * h0
    return h

if __name__ == "__main__":
    import jax
    _d = setup_inputs()
    print(jax.jit(kernel)(*tuple(_d.values())))

</pallas_src>

<mosaic_0001>
#map = affine_map<(d0, d1) -> (0, 0)>
#map1 = affine_map<(d0, d1) -> (0, 0, 0)>
module attributes {stable_mosaic.version = 14 : i64} {
  func.func @_appnp_body(%arg0: i32, %arg1: i32, %arg2: memref<10240x64xf32, #tpu.memory_space<hbm>>, %arg3: memref<16x157x128xi32, #tpu.memory_space<hbm>>, %arg4: memref<16x157x128xi32, #tpu.memory_space<hbm>>, %arg5: memref<10240x64xf32, #tpu.memory_space<hbm>>, %arg6: memref<10240x64xf32, #tpu.memory_space<hbm>>, %arg7: memref<157x128xi32, #tpu.memory_space<vmem>>, %arg8: memref<157x128xi32, #tpu.memory_space<vmem>>, %arg9: memref<128x64xf32, #tpu.memory_space<vmem>>, %arg10: memref<128x64xf32, #tpu.memory_space<vmem>>, %arg11: memref<128x64xf32, #tpu.memory_space<vmem>>, %arg12: memref<128x64xf32, #tpu.memory_space<vmem>>, %arg13: memref<128x64xf32, #tpu.memory_space<vmem>>, %arg14: memref<640xf32, #tpu.memory_space<vmem>>, %arg15: memref<640xf32, #tpu.memory_space<vmem>>, %arg16: memref<128xf32, #tpu.memory_space<vmem>>, %arg17: memref<!tpu.dma_semaphore, #tpu.memory_space<semaphore_mem>>, %arg18: memref<!tpu.dma_semaphore, #tpu.memory_space<semaphore_mem>>, %arg19: memref<!tpu.dma_semaphore, #tpu.memory_space<semaphore_mem>>, %arg20: memref<!tpu.dma_semaphore, #tpu.memory_space<semaphore_mem>>, %arg21: memref<!tpu.dma_semaphore, #tpu.memory_space<semaphore_mem>>, %arg22: memref<!tpu.dma_semaphore, #tpu.memory_space<semaphore_mem>>, %arg23: memref<10240x64xf32, #tpu.memory_space<vmem_shared>>, %arg24: memref<10240xf32, #tpu.memory_space<vmem_shared>>) attributes {dimension_semantics = [#tpu.dimension_semantics<core_parallel>, #tpu.dimension_semantics<subcore_parallel>], iteration_bounds = array<i64: 1, 16>, scalar_prefetch = 0 : i64, scratch_operands = 18 : i64, tpu.core_type = #tpu.core_type<sc_vector_subcore>, window_params = [{transform_indices = #map}, {transform_indices = #map1}, {transform_indices = #map1}, {transform_indices = #map}, {transform_indices = #map}]} {
    %mul3A = arith.constant 640 : i32
    %mul3A_0 = arith.muli %arg1, %mul3A : i32
    "tpu.region"() ({
      %run_scoped3A = tpu.sem_alloc : memref<!tpu.dma_semaphore, #tpu.memory_space<semaphore_mem>>
      %dma_start3A = arith.constant 0 : i32
      %dma_start3A_56 = arith.constant 0 : i32
      %dma_start3A_57 = tpu.memref_slice %arg3[%arg1, %dma_start3A, %dma_start3A_56] : memref<16x157x128xi32, #tpu.memory_space<hbm>> -> memref<1x157x128xi32, #tpu.memory_space<hbm>>
      %dma_start3A_58 = tpu.memref_squeeze %dma_start3A_57 : memref<1x157x128xi32, #tpu.memory_space<hbm>> -> memref<157x128xi32, #tpu.memory_space<hbm>>
      %dma_start3A_59 = arith.constant 0 : i32
      %dma_start3A_60 = arith.constant 0 : i32
      %dma_start3A_61 = tpu.memref_slice %arg3[%arg1, %dma_start3A_59, %dma_start3A_60] : memref<16x157x128xi32, #tpu.memory_space<hbm>> -> memref<1x157x128xi32, #tpu.memory_space<hbm>>
      %dma_start3A_62 = tpu.memref_squeeze %dma_start3A_61 : memref<1x157x128xi32, #tpu.memory_space<hbm>> -> memref<157x128xi32, #tpu.memory_space<hbm>>
      tpu.enqueue_dma source(%dma_start3A_62 : memref<157x128xi32, #tpu.memory_space<hbm>>) target(%arg7 : memref<157x128xi32, #tpu.memory_space<vmem>>) target_semaphore(%run_scoped3A : memref<!tpu.dma_semaphore, #tpu.memory_space<semaphore_mem>>)
      %dma_wait3A = arith.constant 0 : i32
      %dma_wait3A_63 = arith.constant 0 : i32
      %dma_wait3A_64 = tpu.memref_slice %arg3[%arg1, %dma_wait3A, %dma_wait3A_63] : memref<16x157x128xi32, #tpu.memory_space<hbm>> -> memref<1x157x128xi32, #tpu.memory_space<hbm>>
      %dma_wait3A_65 = tpu.memref_squeeze %dma_wait3A_64 : memref<1x157x128xi32, #tpu.memory_space<hbm>> -> memref<157x128xi32, #tpu.memory_space<hbm>>
      %dma_wait3A_66 = arith.constant 0 : i32
      %dma_wait3A_67 = arith.constant 0 : i32
      %dma_wait3A_68 = tpu.memref_slice %arg3[%arg1, %dma_wait3A_66, %dma_wait3A_67] : memref<16x157x128xi32, #tpu.memory_space<hbm>> -> memref<1x157x128xi32, #tpu.memory_space<hbm>>
      %dma_wait3A_69 = tpu.memref_squeeze %dma_wait3A_68 : memref<1x157x128xi32, #tpu.memory_space<hbm>> -> memref<157x128xi32, #tpu.memory_space<hbm>>
      tpu.wait_dma2 semaphore(%run_scoped3A : memref<!tpu.dma_semaphore, #tpu.memory_space<semaphore_mem>>) src(%dma_wait3A_69 : memref<157x128xi32, #tpu.memory_space<hbm>>) dst(%arg7 : memref<157x128xi32, #tpu.memory_space<vmem>>)
      tpu.yield
    }) : () -> ()
    "tpu.region"() ({
      %run_scoped3A = tpu.sem_alloc : memref<!tpu.dma_semaphore, #tpu.memory_space<semaphore_mem>>
      %dma_start3A = arith.constant 0 : i32
      %dma_start3A_56 = arith.constant 0 : i32
      %dma_start3A_57 = tpu.memref_slice %arg4[%arg1, %dma_start3A, %dma_start3A_56] : memref<16x157x128xi32, #tpu.memory_space<hbm>> -> memref<1x157x128xi32, #tpu.memory_space<hbm>>
      %dma_start3A_58 = tpu.memref_squeeze %dma_start3A_57 : memref<1x157x128xi32, #tpu.memory_space<hbm>> -> memref<157x128xi32, #tpu.memory_space<hbm>>
      %dma_start3A_59 = arith.constant 0 : i32
      %dma_start3A_60 = arith.constant 0 : i32
      %dma_start3A_61 = tpu.memref_slice %arg4[%arg1, %dma_start3A_59, %dma_start3A_60] : memref<16x157x128xi32, #tpu.memory_space<hbm>> -> memref<1x157x128xi32, #tpu.memory_space<hbm>>
      %dma_start3A_62 = tpu.memref_squeeze %dma_start3A_61 : memref<1x157x128xi32, #tpu.memory_space<hbm>> -> memref<157x128xi32, #tpu.memory_space<hbm>>
      tpu.enqueue_dma source(%dma_start3A_62 : memref<157x128xi32, #tpu.memory_space<hbm>>) target(%arg8 : memref<157x128xi32, #tpu.memory_space<vmem>>) target_semaphore(%run_scoped3A : memref<!tpu.dma_semaphore, #tpu.memory_space<semaphore_mem>>)
      %dma_wait3A = arith.constant 0 : i32
      %dma_wait3A_63 = arith.constant 0 : i32
      %dma_wait3A_64 = tpu.memref_slice %arg4[%arg1, %dma_wait3A, %dma_wait3A_63] : memref<16x157x128xi32, #tpu.memory_space<hbm>> -> memref<1x157x128xi32, #tpu.memory_space<hbm>>
      %dma_wait3A_65 = tpu.memref_squeeze %dma_wait3A_64 : memref<1x157x128xi32, #tpu.memory_space<hbm>> -> memref<157x128xi32, #tpu.memory_space<hbm>>
      %dma_wait3A_66 = arith.constant 0 : i32
      %dma_wait3A_67 = arith.constant 0 : i32
      %dma_wait3A_68 = tpu.memref_slice %arg4[%arg1, %dma_wait3A_66, %dma_wait3A_67] : memref<16x157x128xi32, #tpu.memory_space<hbm>> -> memref<1x157x128xi32, #tpu.memory_space<hbm>>
      %dma_wait3A_69 = tpu.memref_squeeze %dma_wait3A_68 : memref<1x157x128xi32, #tpu.memory_space<hbm>> -> memref<157x128xi32, #tpu.memory_space<hbm>>
      tpu.wait_dma2 semaphore(%run_scoped3A : memref<!tpu.dma_semaphore, #tpu.memory_space<semaphore_mem>>) src(%dma_wait3A_69 : memref<157x128xi32, #tpu.memory_space<hbm>>) dst(%arg8 : memref<157x128xi32, #tpu.memory_space<vmem>>)
      tpu.yield
    }) : () -> ()
    %scan3A = arith.constant 0 : i32
    %scan3A_1 = arith.constant 0 : i32
    %scan3A_2 = arith.constant 8 : i32
    %scan3A_3 = arith.addi %scan3A_1, %scan3A_2 : i32
    %scan3A_4 = arith.constant 1 : i32
    scf.for %scan3A_56 = %scan3A_1 to %scan3A_3 step %scan3A_4  : i32 {
      %broadcast_in_dim3A = arith.constant 1.000000e+00 : f32
      %broadcast_in_dim3A_57 = vector.broadcast %broadcast_in_dim3A : f32 to vector<16xf32>
      %mul3A_58 = arith.constant 16 : i32
      %mul3A_59 = arith.muli %scan3A_56, %mul3A_58 : i32
      %swap3A = arith.index_cast %mul3A_59 : i32 to index
      %swap3A_60 = tpu.vector_load %arg16[%swap3A] {strides = array<i32>} : memref<128xf32, #tpu.memory_space<vmem>>, vector<16xf32>,
      tpu.vector_store %arg16[%swap3A], %broadcast_in_dim3A_57 {strides = array<i32>} : memref<128xf32, #tpu.memory_space<vmem>>, vector<16xf32>,
    }
    %scan3A_5 = arith.constant 8 : i32
    %scan3A_6 = arith.constant 0 : i32
    %scan3A_7 = arith.constant 0 : i32
    %scan3A_8 = arith.constant 40 : i32
    %scan3A_9 = arith.addi %scan3A_7, %scan3A_8 : i32
    %scan3A_10 = arith.constant 1 : i32
    scf.for %scan3A_56 = %scan3A_7 to %scan3A_9 step %scan3A_10  : i32 {
      %broadcast_in_dim3A = arith.constant 0.000000e+00 : f32
      %broadcast_in_dim3A_57 = vector.broadcast %broadcast_in_dim3A : f32 to vector<16xf32>
      %mul3A_58 = arith.constant 16 : i32
      %mul3A_59 = arith.muli %scan3A_56, %mul3A_58 : i32
      %swap3A = arith.index_cast %mul3A_59 : i32 to index
      %swap3A_60 = tpu.vector_load %arg15[%swap3A] {strides = array<i32>} : memref<640xf32, #tpu.memory_space<vmem>>, vector<16xf32>,
      tpu.vector_store %arg15[%swap3A], %broadcast_in_dim3A_57 {strides = array<i32>} : memref<640xf32, #tpu.memory_space<vmem>>, vector<16xf32>,
    }
    %scan3A_11 = arith.constant 40 : i32
    "tpu.region"() ({
      %run_scoped3A = tpu.sem_alloc : memref<!tpu.dma_semaphore, #tpu.memory_space<semaphore_mem>>
      %dma_start3A = tpu.memref_slice %arg24[%mul3A_0] : memref<10240xf32, #tpu.memory_space<vmem_shared>> -> memref<640xf32, #tpu.memory_space<vmem_shared>>
      %dma_start3A_56 = tpu.memref_slice %arg24[%mul3A_0] : memref<10240xf32, #tpu.memory_space<vmem_shared>> -> memref<640xf32, #tpu.memory_space<vmem_shared>>
      tpu.enqueue_dma source(%arg15 : memref<640xf32, #tpu.memory_space<vmem>>) target(%dma_start3A_56 : memref<640xf32, #tpu.memory_space<vmem_shared>>) target_semaphore(%run_scoped3A : memref<!tpu.dma_semaphore, #tpu.memory_space<semaphore_mem>>)
      %dma_wait3A = tpu.memref_slice %arg24[%mul3A_0] : memref<10240xf32, #tpu.memory_space<vmem_shared>> -> memref<640xf32, #tpu.memory_space<vmem_shared>>
      %dma_wait3A_57 = tpu.memref_slice %arg24[%mul3A_0] : memref<10240xf32, #tpu.memory_space<vmem_shared>> -> memref<640xf32, #tpu.memory_space<vmem_shared>>
      tpu.wait_dma2 semaphore(%run_scoped3A : memref<!tpu.dma_semaphore, #tpu.memory_space<semaphore_mem>>) src(%arg15 : memref<640xf32, #tpu.memory_space<vmem>>) dst(%dma_wait3A_57 : memref<640xf32, #tpu.memory_space<vmem_shared>>)
      tpu.yield
    }) : () -> ()
    %scan3A_12 = arith.constant 0 : i32
    %scan3A_13 = arith.constant 0 : i32
    %scan3A_14 = arith.constant 128 : i32
    %scan3A_15 = arith.addi %scan3A_13, %scan3A_14 : i32
    %scan3A_16 = arith.constant 1 : i32
    scf.for %scan3A_56 = %scan3A_13 to %scan3A_15 step %scan3A_16  : i32 {
      %broadcast_in_dim3A = arith.constant 0.000000e+00 : f32
      %broadcast_in_dim3A_57 = vector.broadcast %broadcast_in_dim3A : f32 to vector<16xf32>
      %swap3A = arith.index_cast %scan3A_56 : i32 to index
      %swap3A_58 = arith.constant 0 : index
      %swap3A_59 = tpu.vector_load %arg13[%swap3A, %swap3A_58] {strides = array<i32>} : memref<128x64xf32, #tpu.memory_space<vmem>>, vector<16xf32>,
      tpu.vector_store %arg13[%swap3A, %swap3A_58], %broadcast_in_dim3A_57 {strides = array<i32>} : memref<128x64xf32, #tpu.memory_space<vmem>>, vector<16xf32>,
      %broadcast_in_dim3A_60 = arith.constant 0.000000e+00 : f32
      %broadcast_in_dim3A_61 = vector.broadcast %broadcast_in_dim3A_60 : f32 to vector<16xf32>
      %swap3A_62 = arith.index_cast %scan3A_56 : i32 to index
      %swap3A_63 = arith.constant 16 : index
      %swap3A_64 = tpu.vector_load %arg13[%swap3A_62, %swap3A_63] {strides = array<i32>} : memref<128x64xf32, #tpu.memory_space<vmem>>, vector<16xf32>,
      tpu.vector_store %arg13[%swap3A_62, %swap3A_63], %broadcast_in_dim3A_61 {strides = array<i32>} : memref<128x64xf32, #tpu.memory_space<vmem>>, vector<16xf32>,
      %broadcast_in_dim3A_65 = arith.constant 0.000000e+00 : f32
      %broadcast_in_dim3A_66 = vector.broadcast %broadcast_in_dim3A_65 : f32 to vector<16xf32>
      %swap3A_67 = arith.index_cast %scan3A_56 : i32 to index
      %swap3A_68 = arith.constant 32 : index
      %swap3A_69 = tpu.vector_load %arg13[%swap3A_67, %swap3A_68] {strides = array<i32>} : memref<128x64xf32, #tpu.memory_space<vmem>>, vector<16xf32>,
      tpu.vector_store %arg13[%swap3A_67, %swap3A_68], %broadcast_in_dim3A_66 {strides = array<i32>} : memref<128x64xf32, #tpu.memory_space<vmem>>, vector<16xf32>,
      %broadcast_in_dim3A_70 = arith.constant 0.000000e+00 : f32
      %broadcast_in_dim3A_71 = vector.broadcast %broadcast_in_dim3A_70 : f32 to vector<16xf32>
      %swap3A_72 = arith.index_cast %scan3A_56 : i32 to index
      %swap3A_73 = arith.constant 48 : index
      %swap3A_74 = tpu.vector_load %arg13[%swap3A_72, %swap3A_73] {strides = array<i32>} : memref<128x64xf32, #tpu.memory_space<vmem>>, vector<16xf32>,
      tpu.vector_store %arg13[%swap3A_72, %swap3A_73], %broadcast_in_dim3A_71 {strides = array<i32>} : memref<128x64xf32, #tpu.memory_space<vmem>>, vector<16xf32>,
    }
    %scan3A_17 = arith.constant 128 : i32
    %scan3A_18 = arith.constant 0 : i32
    %scan3A_19 = arith.constant 0 : i32
    %scan3A_20 = arith.constant 5 : i32
    %scan3A_21 = arith.addi %scan3A_19, %scan3A_20 : i32
    %scan3A_22 = arith.constant 1 : i32
    scf.for %scan3A_56 = %scan3A_19 to %scan3A_21 step %scan3A_22  : i32 {
      %mul3A_57 = arith.constant 128 : i32
      %mul3A_58 = arith.muli %scan3A_56, %mul3A_57 : i32
      %add3A = arith.addi %mul3A_0, %mul3A_58 : i32
      "tpu.region"() ({
        %run_scoped3A = tpu.sem_alloc : memref<!tpu.dma_semaphore, #tpu.memory_space<semaphore_mem>>
        %dma_start3A = arith.constant 0 : i32
        %dma_start3A_59 = tpu.memref_slice %arg23[%add3A, %dma_start3A] : memref<10240x64xf32, #tpu.memory_space<vmem_shared>> -> memref<128x64xf32, #tpu.memory_space<vmem_shared>>
        %dma_start3A_60 = arith.constant 0 : i32
        %dma_start3A_61 = tpu.memref_slice %arg23[%add3A, %dma_start3A_60] : memref<10240x64xf32, #tpu.memory_space<vmem_shared>> -> memref<128x64xf32, #tpu.memory_space<vmem_shared>>
        tpu.enqueue_dma source(%arg13 : memref<128x64xf32, #tpu.memory_space<vmem>>) target(%dma_start3A_61 : memref<128x64xf32, #tpu.memory_space<vmem_shared>>) target_semaphore(%run_scoped3A : memref<!tpu.dma_semaphore, #tpu.memory_space<semaphore_mem>>)
        %dma_wait3A = arith.constant 0 : i32
        %dma_wait3A_62 = tpu.memref_slice %arg23[%add3A, %dma_wait3A] : memref<10240x64xf32, #tpu.memory_space<vmem_shared>> -> memref<128x64xf32, #tpu.memory_space<vmem_shared>>
        %dma_wait3A_63 = arith.constant 0 : i32
        %dma_wait3A_64 = tpu.memref_slice %arg23[%add3A, %dma_wait3A_63] : memref<10240x64xf32, #tpu.memory_space<vmem_shared>> -> memref<128x64xf32, #tpu.memory_space<vmem_shared>>
        tpu.wait_dma2 semaphore(%run_scoped3A : memref<!tpu.dma_semaphore, #tpu.memory_space<semaphore_mem>>) src(%arg13 : memref<128x64xf32, #tpu.memory_space<vmem>>) dst(%dma_wait3A_64 : memref<128x64xf32, #tpu.memory_space<vmem_shared>>)
        tpu.yield
      }) : () -> ()
    }
    %scan3A_23 = arith.constant 5 : i32
    %barrier3A = arith.constant 0 : index
    tpu.barrier barrier_id(%barrier3A)
    %scan3A_24 = arith.constant 0 : i32
    %scan3A_25 = arith.constant 0 : i32
    %scan3A_26 = arith.constant 157 : i32
    %scan3A_27 = arith.addi %scan3A_25, %scan3A_26 : i32
    %scan3A_28 = arith.constant 1 : i32
    scf.for %scan3A_56 = %scan3A_25 to %scan3A_27 step %scan3A_28  : i32 {
      "tpu.region"() ({
        %run_scoped3A = tpu.sem_alloc : memref<!tpu.dma_semaphore, #tpu.memory_space<semaphore_mem>>
        %dma_start3A = arith.constant 0 : i32
        %dma_start3A_57 = tpu.memref_slice %arg8[%scan3A_56, %dma_start3A] : memref<157x128xi32, #tpu.memory_space<vmem>> -> memref<1x128xi32, #tpu.memory_space<vmem>>
        %dma_start3A_58 = tpu.memref_squeeze %dma_start3A_57 : memref<1x128xi32, #tpu.memory_space<vmem>> -> memref<128xi32, #tpu.memory_space<vmem>>
        %dma_start3A_59 = arith.constant 0 : i32
        %dma_start3A_60 = tpu.memref_slice %arg24[%dma_start3A_59] : memref<10240xf32, #tpu.memory_space<vmem_shared>> -> memref<10240xf32, #tpu.memory_space<vmem_shared>>
        tpu.enqueue_indirect_dma source(%arg16 : memref<128xf32, #tpu.memory_space<vmem>>) target(%dma_start3A_60 : memref<10240xf32, #tpu.memory_space<vmem_shared>>) offsets(%dma_start3A_58 : memref<128xi32, #tpu.memory_space<vmem>>) semaphore(%run_scoped3A : memref<!tpu.dma_semaphore, #tpu.memory_space<semaphore_mem>>) {add = true}
        %dma_wait3A = arith.constant 0 : i32
        %dma_wait3A_61 = tpu.memref_slice %arg8[%scan3A_56, %dma_wait3A] : memref<157x128xi32, #tpu.memory_space<vmem>> -> memref<1x128xi32, #tpu.memory_space<vmem>>
        %dma_wait3A_62 = tpu.memref_squeeze %dma_wait3A_61 : memref<1x128xi32, #tpu.memory_space<vmem>> -> memref<128xi32, #tpu.memory_space<vmem>>
        %dma_wait3A_63 = arith.constant 0 : i32
        %dma_wait3A_64 = tpu.memref_slice %arg24[%dma_wait3A_63] : memref<10240xf32, #tpu.memory_space<vmem_shared>> -> memref<10240xf32, #tpu.memory_space<vmem_shared>>
        tpu.wait_indirect_dma semaphore(%run_scoped3A : memref<!tpu.dma_semaphore, #tpu.memory_space<semaphore_mem>>) src(%arg16 : memref<128xf32, #tpu.memory_space<vmem>>) dst(%dma_wait3A_64 : memref<10240xf32, #tpu.memory_space<vmem_shared>>)
        tpu.yield
      }) : () -> ()
    }
    %scan3A_29 = arith.constant 157 : i32
    %barrier3A_30 = arith.constant 0 : index
    tpu.barrier barrier_id(%barrier3A_30)
    "tpu.region"() ({
      %run_scoped3A = tpu.sem_alloc : memref<!tpu.dma_semaphore, #tpu.memory_space<semaphore_mem>>
      %dma_start3A = tpu.memref_slice %arg24[%mul3A_0] : memref<10240xf32, #tpu.memory_space<vmem_shared>> -> memref<640xf32, #tpu.memory_space<vmem_shared>>
      %dma_start3A_56 = tpu.memref_slice %arg24[%mul3A_0] : memref<10240xf32, #tpu.memory_space<vmem_shared>> -> memref<640xf32, #tpu.memory_space<vmem_shared>>
      tpu.enqueue_dma source(%dma_start3A_56 : memref<640xf32, #tpu.memory_space<vmem_shared>>) target(%arg14 : memref<640xf32, #tpu.memory_space<vmem>>) target_semaphore(%run_scoped3A : memref<!tpu.dma_semaphore, #tpu.memory_space<semaphore_mem>>)
      %dma_wait3A = tpu.memref_slice %arg24[%mul3A_0] : memref<10240xf32, #tpu.memory_space<vmem_shared>> -> memref<640xf32, #tpu.memory_space<vmem_shared>>
      %dma_wait3A_57 = tpu.memref_slice %arg24[%mul3A_0] : memref<10240xf32, #tpu.memory_space<vmem_shared>> -> memref<640xf32, #tpu.memory_space<vmem_shared>>
      tpu.wait_dma2 semaphore(%run_scoped3A : memref<!tpu.dma_semaphore, #tpu.memory_space<semaphore_mem>>) src(%dma_wait3A_57 : memref<640xf32, #tpu.memory_space<vmem_shared>>) dst(%arg14 : memref<640xf32, #tpu.memory_space<vmem>>)
      tpu.yield
    }) : () -> ()
    %scan3A_31 = arith.constant 0 : i32
    %scan3A_32 = arith.constant 0 : i32
    %scan3A_33 = arith.constant 40 : i32
    %scan3A_34 = arith.addi %scan3A_32, %scan3A_33 : i32
    %scan3A_35 = arith.constant 1 : i32
    scf.for %scan3A_56 = %scan3A_32 to %scan3A_34 step %scan3A_35  : i32 {
      %mul3A_57 = arith.constant 16 : i32
      %mul3A_58 = arith.muli %scan3A_56, %mul3A_57 : i32
      %get3A = arith.index_cast %mul3A_58 : i32 to index
      %get3A_59 = tpu.vector_load %arg14[%get3A] {strides = array<i32>} : memref<640xf32, #tpu.memory_space<vmem>>, vector<16xf32>,
      %add3A = arith.constant 1.000000e+00 : f32
      %add3A_60 = vector.broadcast %add3A : f32 to vector<16xf32>
      %add3A_61 = arith.addf %get3A_59, %add3A_60 : vector<16xf32>
      %swap3A = arith.index_cast %mul3A_58 : i32 to index
      %swap3A_62 = tpu.vector_load %arg14[%swap3A] {strides = array<i32>} : memref<640xf32, #tpu.memory_space<vmem>>, vector<16xf32>,
      tpu.vector_store %arg14[%swap3A], %add3A_61 {strides = array<i32>} : memref<640xf32, #tpu.memory_space<vmem>>, vector<16xf32>,
      %ge3A = arith.constant 6.553600e+04 : f32
      %ge3A_63 = vector.broadcast %ge3A : f32 to vector<16xf32>
      %ge3A_64 = arith.cmpf oge, %add3A_61, %ge3A_63 : vector<16xf32>
      %mul3A_65 = arith.constant 3.906250e-03 : f32
      %mul3A_66 = vector.broadcast %mul3A_65 : f32 to vector<16xf32>
      %mul3A_67 = arith.mulf %add3A_61, %mul3A_66 : vector<16xf32>
      %ge3A_68 = arith.constant 2.560000e+02 : f32
      %ge3A_69 = vector.broadcast %ge3A_68 : f32 to vector<16xf32>
      %ge3A_70 = arith.cmpf oge, %add3A_61, %ge3A_69 : vector<16xf32>
      %mul3A_71 = arith.constant 6.250000e-02 : f32
      %mul3A_72 = vector.broadcast %mul3A_71 : f32 to vector<16xf32>
      %mul3A_73 = arith.mulf %add3A_61, %mul3A_72 : vector<16xf32>
      %ge3A_74 = arith.constant 4.000000e+00 : f32
      %ge3A_75 = vector.broadcast %ge3A_74 : f32 to vector<16xf32>
      %ge3A_76 = arith.cmpf oge, %add3A_61, %ge3A_75 : vector<16xf32>
      %mul3A_77 = arith.constant 5.000000e-01 : f32
      %mul3A_78 = vector.broadcast %mul3A_77 : f32 to vector<16xf32>
      %mul3A_79 = arith.mulf %add3A_61, %mul3A_78 : vector<16xf32>
      %select_n3A = arith.select %ge3A_76, %mul3A_79, %add3A_61 : vector<16xi1>, vector<16xf32>
      %select_n3A_80 = arith.select %ge3A_70, %mul3A_73, %select_n3A : vector<16xi1>, vector<16xf32>
      %select_n3A_81 = arith.select %ge3A_64, %mul3A_67, %select_n3A_80 : vector<16xi1>, vector<16xf32>
      %div3A = arith.divf %add3A_61, %select_n3A_81 : vector<16xf32>
      %add3A_82 = arith.addf %select_n3A_81, %div3A : vector<16xf32>
      %mul3A_83 = arith.constant 5.000000e-01 : f32
      %mul3A_84 = vector.broadcast %mul3A_83 : f32 to vector<16xf32>
      %mul3A_85 = arith.mulf %mul3A_84, %add3A_82 : vector<16xf32>
      %div3A_86 = arith.divf %add3A_61, %mul3A_85 : vector<16xf32>
      %add3A_87 = arith.addf %mul3A_85, %div3A_86 : vector<16xf32>
      %mul3A_88 = arith.constant 5.000000e-01 : f32
      %mul3A_89 = vector.broadcast %mul3A_88 : f32 to vector<16xf32>
      %mul3A_90 = arith.mulf %mul3A_89, %add3A_87 : vector<16xf32>
      %div3A_91 = arith.divf %add3A_61, %mul3A_90 : vector<16xf32>
      %add3A_92 = arith.addf %mul3A_90, %div3A_91 : vector<16xf32>
      %mul3A_93 = arith.constant 5.000000e-01 : f32
      %mul3A_94 = vector.broadcast %mul3A_93 : f32 to vector<16xf32>
      %mul3A_95 = arith.mulf %mul3A_94, %add3A_92 : vector<16xf32>
      %div3A_96 = arith.divf %add3A_61, %mul3A_95 : vector<16xf32>
      %add3A_97 = arith.addf %mul3A_95, %div3A_96 : vector<16xf32>
      %mul3A_98 = arith.constant 5.000000e-01 : f32
      %mul3A_99 = vector.broadcast %mul3A_98 : f32 to vector<16xf32>
      %mul3A_100 = arith.mulf %mul3A_99, %add3A_97 : vector<16xf32>
      %div3A_101 = arith.divf %add3A_61, %mul3A_100 : vector<16xf32>
      %add3A_102 = arith.addf %mul3A_100, %div3A_101 : vector<16xf32>
      %mul3A_103 = arith.constant 5.000000e-01 : f32
      %mul3A_104 = vector.broadcast %mul3A_103 : f32 to vector<16xf32>
      %mul3A_105 = arith.mulf %mul3A_104, %add3A_102 : vector<16xf32>
      %div3A_106 = arith.divf %add3A_61, %mul3A_105 : vector<16xf32>
      %add3A_107 = arith.addf %mul3A_105, %div3A_106 : vector<16xf32>
      %mul3A_108 = arith.constant 5.000000e-01 : f32
      %mul3A_109 = vector.broadcast %mul3A_108 : f32 to vector<16xf32>
      %mul3A_110 = arith.mulf %mul3A_109, %add3A_107 : vector<16xf32>
      %div3A_111 = arith.divf %add3A_61, %mul3A_110 : vector<16xf32>
      %add3A_112 = arith.addf %mul3A_110, %div3A_111 : vector<16xf32>
      %mul3A_113 = arith.constant 5.000000e-01 : f32
      %mul3A_114 = vector.broadcast %mul3A_113 : f32 to vector<16xf32>
      %mul3A_115 = arith.mulf %mul3A_114, %add3A_112 : vector<16xf32>
      %div3A_116 = arith.divf %add3A_61, %mul3A_115 : vector<16xf32>
      %add3A_117 = arith.addf %mul3A_115, %div3A_116 : vector<16xf32>
      %mul3A_118 = arith.constant 5.000000e-01 : f32
      %mul3A_119 = vector.broadcast %mul3A_118 : f32 to vector<16xf32>
      %mul3A_120 = arith.mulf %mul3A_119, %add3A_117 : vector<16xf32>
      %div3A_121 = arith.constant 1.000000e+00 : f32
      %div3A_122 = vector.broadcast %div3A_121 : f32 to vector<16xf32>
      %div3A_123 = arith.divf %div3A_122, %mul3A_120 : vector<16xf32>
      %swap3A_124 = arith.index_cast %mul3A_58 : i32 to index
      %swap3A_125 = tpu.vector_load %arg15[%swap3A_124] {strides = array<i32>} : memref<640xf32, #tpu.memory_space<vmem>>, vector<16xf32>,
      tpu.vector_store %arg15[%swap3A_124], %div3A_123 {strides = array<i32>} : memref<640xf32, #tpu.memory_space<vmem>>, vector<16xf32>,
    }
    %scan3A_36 = arith.constant 40 : i32
    %scan3A_37 = arith.constant 0 : i32
    %scan3A_38 = arith.constant 0 : i32
    %scan3A_39 = arith.constant 5 : i32
    %scan3A_40 = arith.addi %scan3A_38, %scan3A_39 : i32
    %scan3A_41 = arith.constant 1 : i32
    scf.for %scan3A_56 = %scan3A_38 to %scan3A_40 step %scan3A_41  : i32 {
      %mul3A_57 = arith.constant 128 : i32
      %mul3A_58 = arith.muli %scan3A_56, %mul3A_57 : i32
      %add3A = arith.addi %mul3A_0, %mul3A_58 : i32
      "tpu.region"() ({
        %run_scoped3A = tpu.sem_alloc : memref<!tpu.dma_semaphore, #tpu.memory_space<semaphore_mem>>
        %dma_start3A = arith.constant 0 : i32
        %dma_start3A_65 = tpu.memref_slice %arg2[%add3A, %dma_start3A] : memref<10240x64xf32, #tpu.memory_space<hbm>> -> memref<128x64xf32, #tpu.memory_space<hbm>>
        %dma_start3A_66 = arith.constant 0 : i32
        %dma_start3A_67 = tpu.memref_slice %arg2[%add3A, %dma_start3A_66] : memref<10240x64xf32, #tpu.memory_space<hbm>> -> memref<128x64xf32, #tpu.memory_space<hbm>>
        tpu.enqueue_dma source(%dma_start3A_67 : memref<128x64xf32, #tpu.memory_space<hbm>>) target(%arg12 : memref<128x64xf32, #tpu.memory_space<vmem>>) target_semaphore(%run_scoped3A : memref<!tpu.dma_semaphore, #tpu.memory_space<semaphore_mem>>)
        %dma_wait3A = arith.constant 0 : i32
        %dma_wait3A_68 = tpu.memref_slice %arg2[%add3A, %dma_wait3A] : memref<10240x64xf32, #tpu.memory_space<hbm>> -> memref<128x64xf32, #tpu.memory_space<hbm>>
        %dma_wait3A_69 = arith.constant 0 : i32
        %dma_wait3A_70 = tpu.memref_slice %arg2[%add3A, %dma_wait3A_69] : memref<10240x64xf32, #tpu.memory_space<hbm>> -> memref<128x64xf32, #tpu.memory_space<hbm>>
        tpu.wait_dma2 semaphore(%run_scoped3A : memref<!tpu.dma_semaphore, #tpu.memory_space<semaphore_mem>>) src(%dma_wait3A_70 : memref<128x64xf32, #tpu.memory_space<hbm>>) dst(%arg12 : memref<128x64xf32, #tpu.memory_space<vmem>>)
        tpu.yield
      }) : () -> ()
      %scan3A_59 = arith.constant 0 : i32
      %scan3A_60 = arith.constant 0 : i32
      %scan3A_61 = arith.constant 128 : i32
      %scan3A_62 = arith.addi %scan3A_60, %scan3A_61 : i32
      %scan3A_63 = arith.constant 1 : i32
      scf.for %scan3A_65 = %scan3A_60 to %scan3A_62 step %scan3A_63  : i32 {
        %mul3A_66 = arith.constant 128 : i32
        %mul3A_67 = arith.muli %scan3A_56, %mul3A_66 : i32
        %add3A_68 = arith.addi %mul3A_67, %scan3A_65 : i32
        %broadcast_in_dim3A = vector.broadcast %add3A_68 : i32 to vector<16xi32>
        %gather3A = tpu.vector_load_idx %arg15[%broadcast_in_dim3A] : memref<640xf32, #tpu.memory_space<vmem>>[vector<16xi32>], vector<16xf32>,
        %get3A = arith.index_cast %scan3A_65 : i32 to index
        %get3A_69 = arith.constant 0 : index
        %get3A_70 = tpu.vector_load %arg12[%get3A, %get3A_69] {strides = array<i32>} : memref<128x64xf32, #tpu.memory_space<vmem>>, vector<16xf32>,
        %mul3A_71 = arith.mulf %gather3A, %get3A_70 : vector<16xf32>
        %swap3A = arith.index_cast %scan3A_65 : i32 to index
        %swap3A_72 = arith.constant 0 : index
        %swap3A_73 = tpu.vector_load %arg11[%swap3A, %swap3A_72] {strides = array<i32>} : memref<128x64xf32, #tpu.memory_space<vmem>>, vector<16xf32>,
        tpu.vector_store %arg11[%swap3A, %swap3A_72], %mul3A_71 {strides = array<i32>} : memref<128x64xf32, #tpu.memory_space<vmem>>, vector<16xf32>,
        %get3A_74 = arith.index_cast %scan3A_65 : i32 to index
        %get3A_75 = arith.constant 16 : index
        %get3A_76 = tpu.vector_load %arg12[%get3A_74, %get3A_75] {strides = array<i32>} : memref<128x64xf32, #tpu.memory_space<vmem>>, vector<16xf32>,
        %mul3A_77 = arith.mulf %gather3A, %get3A_76 : vector<16xf32>
        %swap3A_78 = arith.index_cast %scan3A_65 : i32 to index
        %swap3A_79 = arith.constant 16 : index
        %swap3A_80 = tpu.vector_load %arg11[%swap3A_78, %swap3A_79] {strides = array<i32>} : memref<128x64xf32, #tpu.memory_space<vmem>>, vector<16xf32>,
        tpu.vector_store %arg11[%swap3A_78, %swap3A_79], %mul3A_77 {strides = array<i32>} : memref<128x64xf32, #tpu.memory_space<vmem>>, vector<16xf32>,
        %get3A_81 = arith.index_cast %scan3A_65 : i32 to index
        %get3A_82 = arith.constant 32 : index
        %get3A_83 = tpu.vector_load %arg12[%get3A_81, %get3A_82] {strides = array<i32>} : memref<128x64xf32, #tpu.memory_space<vmem>>, vector<16xf32>,
        %mul3A_84 = arith.mulf %gather3A, %get3A_83 : vector<16xf32>
        %swap3A_85 = arith.index_cast %scan3A_65 : i32 to index
        %swap3A_86 = arith.constant 32 : index
        %swap3A_87 = tpu.vector_load %arg11[%swap3A_85, %swap3A_86] {strides = array<i32>} : memref<128x64xf32, #tpu.memory_space<vmem>>, vector<16xf32>,
        tpu.vector_store %arg11[%swap3A_85, %swap3A_86], %mul3A_84 {strides = array<i32>} : memref<128x64xf32, #tpu.memory_space<vmem>>, vector<16xf32>,
        %get3A_88 = arith.index_cast %scan3A_65 : i32 to index
        %get3A_89 = arith.constant 48 : index
        %get3A_90 = tpu.vector_load %arg12[%get3A_88, %get3A_89] {strides = array<i32>} : memref<128x64xf32, #tpu.memory_space<vmem>>, vector<16xf32>,
        %mul3A_91 = arith.mulf %gather3A, %get3A_90 : vector<16xf32>
        %swap3A_92 = arith.index_cast %scan3A_65 : i32 to index
        %swap3A_93 = arith.constant 48 : index
        %swap3A_94 = tpu.vector_load %arg11[%swap3A_92, %swap3A_93] {strides = array<i32>} : memref<128x64xf32, #tpu.memory_space<vmem>>, vector<16xf32>,
        tpu.vector_store %arg11[%swap3A_92, %swap3A_93], %mul3A_91 {strides = array<i32>} : memref<128x64xf32, #tpu.memory_space<vmem>>, vector<16xf32>,
      }
      %scan3A_64 = arith.constant 128 : i32
      "tpu.region"() ({
        %run_scoped3A = tpu.sem_alloc : memref<!tpu.dma_semaphore, #tpu.memory_space<semaphore_mem>>
        %dma_start3A = arith.constant 0 : i32
        %dma_start3A_65 = tpu.memref_slice %arg6[%add3A, %dma_start3A] : memref<10240x64xf32, #tpu.memory_space<hbm>> -> memref<128x64xf32, #tpu.memory_space<hbm>>
        %dma_start3A_66 = arith.constant 0 : i32
        %dma_start3A_67 = tpu.memref_slice %arg6[%add3A, %dma_start3A_66] : memref<10240x64xf32, #tpu.memory_space<hbm>> -> memref<128x64xf32, #tpu.memory_space<hbm>>
        tpu.enqueue_dma source(%arg11 : memref<128x64xf32, #tpu.memory_space<vmem>>) target(%dma_start3A_67 : memref<128x64xf32, #tpu.memory_space<hbm>>) target_semaphore(%run_scoped3A : memref<!tpu.dma_semaphore, #tpu.memory_space<semaphore_mem>>)
        %dma_wait3A = arith.constant 0 : i32
        %dma_wait3A_68 = tpu.memref_slice %arg6[%add3A, %dma_wait3A] : memref<10240x64xf32, #tpu.memory_space<hbm>> -> memref<128x64xf32, #tpu.memory_space<hbm>>
        %dma_wait3A_69 = arith.constant 0 : i32
        %dma_wait3A_70 = tpu.memref_slice %arg6[%add3A, %dma_wait3A_69] : memref<10240x64xf32, #tpu.memory_space<hbm>> -> memref<128x64xf32, #tpu.memory_space<hbm>>
        tpu.wait_dma2 semaphore(%run_scoped3A : memref<!tpu.dma_semaphore, #tpu.memory_space<semaphore_mem>>) src(%arg11 : memref<128x64xf32, #tpu.memory_space<vmem>>) dst(%dma_wait3A_70 : memref<128x64xf32, #tpu.memory_space<hbm>>)
        tpu.yield
      }) : () -> ()
    }
    %scan3A_42 = arith.constant 5 : i32
    %barrier3A_43 = arith.constant 0 : index
    tpu.barrier barrier_id(%barrier3A_43)
    %scan3A_44 = arith.constant 0 : i32
    %scan3A_45 = arith.constant 0 : i32
    %scan3A_46 = arith.constant 10 : i32
    %scan3A_47 = arith.addi %scan3A_45, %scan3A_46 : i32
    %scan3A_48 = arith.constant 1 : i32
    scf.for %scan3A_56 = %scan3A_45 to %scan3A_47 step %scan3A_48  : i32 {
      %dma_start3A = arith.constant 0 : i32
      %dma_start3A_57 = arith.constant 0 : i32
      %dma_start3A_58 = tpu.memref_slice %arg7[%dma_start3A, %dma_start3A_57] : memref<157x128xi32, #tpu.memory_space<vmem>> -> memref<1x128xi32, #tpu.memory_space<vmem>>
      %dma_start3A_59 = tpu.memref_squeeze %dma_start3A_58 : memref<1x128xi32, #tpu.memory_space<vmem>> -> memref<128xi32, #tpu.memory_space<vmem>>
      %dma_start3A_60 = arith.constant 0 : i32
      %dma_start3A_61 = arith.constant 0 : i32
      %dma_start3A_62 = tpu.memref_slice %arg6[%dma_start3A_60, %dma_start3A_61] : memref<10240x64xf32, #tpu.memory_space<hbm>> -> memref<10240x64xf32, #tpu.memory_space<hbm>>
      tpu.enqueue_indirect_dma source(%dma_start3A_62 : memref<10240x64xf32, #tpu.memory_space<hbm>>) target(%arg9 : memref<128x64xf32, #tpu.memory_space<vmem>>) offsets(%dma_start3A_59 : memref<128xi32, #tpu.memory_space<vmem>>) semaphore(%arg17 : memref<!tpu.dma_semaphore, #tpu.memory_space<semaphore_mem>>)
      %dma_start3A_63 = arith.constant 1 : i32
      %dma_start3A_64 = arith.constant 0 : i32
      %dma_start3A_65 = tpu.memref_slice %arg7[%dma_start3A_63, %dma_start3A_64] : memref<157x128xi32, #tpu.memory_space<vmem>> -> memref<1x128xi32, #tpu.memory_space<vmem>>
      %dma_start3A_66 = tpu.memref_squeeze %dma_start3A_65 : memref<1x128xi32, #tpu.memory_space<vmem>> -> memref<128xi32, #tpu.memory_space<vmem>>
      %dma_start3A_67 = arith.constant 0 : i32
      %dma_start3A_68 = arith.constant 0 : i32
      %dma_start3A_69 = tpu.memref_slice %arg6[%dma_start3A_67, %dma_start3A_68] : memref<10240x64xf32, #tpu.memory_space<hbm>> -> memref<10240x64xf32, #tpu.memory_space<hbm>>
      tpu.enqueue_indirect_dma source(%dma_start3A_69 : memref<10240x64xf32, #tpu.memory_space<hbm>>) target(%arg10 : memref<128x64xf32, #tpu.memory_space<vmem>>) offsets(%dma_start3A_66 : memref<128xi32, #tpu.memory_space<vmem>>) semaphore(%arg18 : memref<!tpu.dma_semaphore, #tpu.memory_space<semaphore_mem>>)
      %dma_start3A_70 = arith.constant 2 : i32
      %dma_start3A_71 = arith.constant 0 : i32
      %dma_start3A_72 = tpu.memref_slice %arg7[%dma_start3A_70, %dma_start3A_71] : memref<157x128xi32, #tpu.memory_space<vmem>> -> memref<1x128xi32, #tpu.memory_space<vmem>>
      %dma_start3A_73 = tpu.memref_squeeze %dma_start3A_72 : memref<1x128xi32, #tpu.memory_space<vmem>> -> memref<128xi32, #tpu.memory_space<vmem>>
      %dma_start3A_74 = arith.constant 0 : i32
      %dma_start3A_75 = arith.constant 0 : i32
      %dma_start3A_76 = tpu.memref_slice %arg6[%dma_start3A_74, %dma_start3A_75] : memref<10240x64xf32, #tpu.memory_space<hbm>> -> memref<10240x64xf32, #tpu.memory_space<hbm>>
      tpu.enqueue_indirect_dma source(%dma_start3A_76 : memref<10240x64xf32, #tpu.memory_space<hbm>>) target(%arg11 : memref<128x64xf32, #tpu.memory_space<vmem>>) offsets(%dma_start3A_73 : memref<128xi32, #tpu.memory_space<vmem>>) semaphore(%arg19 : memref<!tpu.dma_semaphore, #tpu.memory_space<semaphore_mem>>)
      %scan3A_77 = arith.constant 0 : i32
      %scan3A_78 = arith.constant 0 : i32
      %scan3A_79 = arith.constant 52 : i32
      %scan3A_80 = arith.addi %scan3A_78, %scan3A_79 : i32
      %scan3A_81 = arith.constant 1 : i32
      scf.for %scan3A_113 = %scan3A_78 to %scan3A_80 step %scan3A_81  : i32 {
        %mul3A_114 = arith.constant 3 : i32
        %mul3A_115 = arith.muli %mul3A_114, %scan3A_113 : i32
        %add3A = arith.constant 0 : i32
        %add3A_116 = arith.addi %mul3A_115, %add3A : i32
        %dma_wait3A_117 = arith.constant 0 : i32
        %dma_wait3A_118 = tpu.memref_slice %arg7[%add3A_116, %dma_wait3A_117] : memref<157x128xi32, #tpu.memory_space<vmem>> -> memref<1x128xi32, #tpu.memory_space<vmem>>
        %dma_wait3A_119 = tpu.memref_squeeze %dma_wait3A_118 : memref<1x128xi32, #tpu.memory_space<vmem>> -> memref<128xi32, #tpu.memory_space<vmem>>
        %dma_wait3A_120 = arith.constant 0 : i32
        %dma_wait3A_121 = arith.constant 0 : i32
        %dma_wait3A_122 = tpu.memref_slice %arg6[%dma_wait3A_120, %dma_wait3A_121] : memref<10240x64xf32, #tpu.memory_space<hbm>> -> memref<10240x64xf32, #tpu.memory_space<hbm>>
        tpu.wait_indirect_dma semaphore(%arg17 : memref<!tpu.dma_semaphore, #tpu.memory_space<semaphore_mem>>) src(%dma_wait3A_122 : memref<10240x64xf32, #tpu.memory_space<hbm>>) dst(%arg9 : memref<128x64xf32, #tpu.memory_space<vmem>>)
        %add3A_123 = arith.constant 0 : i32
        %add3A_124 = arith.addi %mul3A_115, %add3A_123 : i32
        %dma_start3A_125 = arith.constant 0 : i32
        %dma_start3A_126 = tpu.memref_slice %arg8[%add3A_124, %dma_start3A_125] : memref<157x128xi32, #tpu.memory_space<vmem>> -> memref<1x128xi32, #tpu.memory_space<vmem>>
        %dma_start3A_127 = tpu.memref_squeeze %dma_start3A_126 : memref<1x128xi32, #tpu.memory_space<vmem>> -> memref<128xi32, #tpu.memory_space<vmem>>
        %dma_start3A_128 = arith.constant 0 : i32
        %dma_start3A_129 = arith.constant 0 : i32
        %dma_start3A_130 = tpu.memref_slice %arg23[%dma_start3A_128, %dma_start3A_129] : memref<10240x64xf32, #tpu.memory_space<vmem_shared>> -> memref<10240x64xf32, #tpu.memory_space<vmem_shared>>
        tpu.enqueue_indirect_dma source(%arg9 : memref<128x64xf32, #tpu.memory_space<vmem>>) target(%dma_start3A_130 : memref<10240x64xf32, #tpu.memory_space<vmem_shared>>) offsets(%dma_start3A_127 : memref<128xi32, #tpu.memory_space<vmem>>) semaphore(%arg20 : memref<!tpu.dma_semaphore, #tpu.memory_space<semaphore_mem>>) {add = true}
        %add3A_131 = arith.constant 1 : i32
        %add3A_132 = arith.addi %mul3A_115, %add3A_131 : i32
        %dma_wait3A_133 = arith.constant 0 : i32
        %dma_wait3A_134 = tpu.memref_slice %arg7[%add3A_132, %dma_wait3A_133] : memref<157x128xi32, #tpu.memory_space<vmem>> -> memref<1x128xi32, #tpu.memory_space<vmem>>
        %dma_wait3A_135 = tpu.memref_squeeze %dma_wait3A_134 : memref<1x128xi32, #tpu.memory_space<vmem>> -> memref<128xi32, #tpu.memory_space<vmem>>
        %dma_wait3A_136 = arith.constant 0 : i32
        %dma_wait3A_137 = arith.constant 0 : i32
        %dma_wait3A_138 = tpu.memref_slice %arg6[%dma_wait3A_136, %dma_wait3A_137] : memref<10240x64xf32, #tpu.memory_space<hbm>> -> memref<10240x64xf32, #tpu.memory_space<hbm>>
        tpu.wait_indirect_dma semaphore(%arg18 : memref<!tpu.dma_semaphore, #tpu.memory_space<semaphore_mem>>) src(%dma_wait3A_138 : memref<10240x64xf32, #tpu.memory_space<hbm>>) dst(%arg10 : memref<128x64xf32, #tpu.memory_space<vmem>>)
        %add3A_139 = arith.constant 1 : i32
        %add3A_140 = arith.addi %mul3A_115, %add3A_139 : i32
        %dma_start3A_141 = arith.constant 0 : i32
        %dma_start3A_142 = tpu.memref_slice %arg8[%add3A_140, %dma_start3A_141] : memref<157x128xi32, #tpu.memory_space<vmem>> -> memref<1x128xi32, #tpu.memory_space<vmem>>
        %dma_start3A_143 = tpu.memref_squeeze %dma_start3A_142 : memref<1x128xi32, #tpu.memory_space<vmem>> -> memref<128xi32, #tpu.memory_space<vmem>>
        %dma_start3A_144 = arith.constant 0 : i32
        %dma_start3A_145 = arith.constant 0 : i32
        %dma_start3A_146 = tpu.memref_slice %arg23[%dma_start3A_144, %dma_start3A_145] : memref<10240x64xf32, #tpu.memory_space<vmem_shared>> -> memref<10240x64xf32, #tpu.memory_space<vmem_shared>>
        tpu.enqueue_indirect_dma source(%arg10 : memref<128x64xf32, #tpu.memory_space<vmem>>) target(%dma_start3A_146 : memref<10240x64xf32, #tpu.memory_space<vmem_shared>>) offsets(%dma_start3A_143 : memref<128xi32, #tpu.memory_space<vmem>>) semaphore(%arg21 : memref<!tpu.dma_semaphore, #tpu.memory_space<semaphore_mem>>) {add = true}
        %add3A_147 = arith.constant 2 : i32
        %add3A_148 = arith.addi %mul3A_115, %add3A_147 : i32
        %dma_wait3A_149 = arith.constant 0 : i32
        %dma_wait3A_150 = tpu.memref_slice %arg7[%add3A_148, %dma_wait3A_149] : memref<157x128xi32, #tpu.memory_space<vmem>> -> memref<1x128xi32, #tpu.memory_space<vmem>>
        %dma_wait3A_151 = tpu.memref_squeeze %dma_wait3A_150 : memref<1x128xi32, #tpu.memory_space<vmem>> -> memref<128xi32, #tpu.memory_space<vmem>>
        %dma_wait3A_152 = arith.constant 0 : i32
        %dma_wait3A_153 = arith.constant 0 : i32
        %dma_wait3A_154 = tpu.memref_slice %arg6[%dma_wait3A_152, %dma_wait3A_153] : memref<10240x64xf32, #tpu.memory_space<hbm>> -> memref<10240x64xf32, #tpu.memory_space<hbm>>
        tpu.wait_indirect_dma semaphore(%arg19 : memref<!tpu.dma_semaphore, #tpu.memory_space<semaphore_mem>>) src(%dma_wait3A_154 : memref<10240x64xf32, #tpu.memory_space<hbm>>) dst(%arg11 : memref<128x64xf32, #tpu.memory_space<vmem>>)
        %add3A_155 = arith.constant 2 : i32
        %add3A_156 = arith.addi %mul3A_115, %add3A_155 : i32
        %dma_start3A_157 = arith.constant 0 : i32
        %dma_start3A_158 = tpu.memref_slice %arg8[%add3A_156, %dma_start3A_157] : memref<157x128xi32, #tpu.memory_space<vmem>> -> memref<1x128xi32, #tpu.memory_space<vmem>>
        %dma_start3A_159 = tpu.memref_squeeze %dma_start3A_158 : memref<1x128xi32, #tpu.memory_space<vmem>> -> memref<128xi32, #tpu.memory_space<vmem>>
        %dma_start3A_160 = arith.constant 0 : i32
        %dma_start3A_161 = arith.constant 0 : i32
        %dma_start3A_162 = tpu.memref_slice %arg23[%dma_start3A_160, %dma_start3A_161] : memref<10240x64xf32, #tpu.memory_space<vmem_shared>> -> memref<10240x64xf32, #tpu.memory_space<vmem_shared>>
        tpu.enqueue_indirect_dma source(%arg11 : memref<128x64xf32, #tpu.memory_space<vmem>>) target(%dma_start3A_162 : memref<10240x64xf32, #tpu.memory_space<vmem_shared>>) offsets(%dma_start3A_159 : memref<128xi32, #tpu.memory_space<vmem>>) semaphore(%arg22 : memref<!tpu.dma_semaphore, #tpu.memory_space<semaphore_mem>>) {add = true}
        %add3A_163 = arith.constant 0 : i32
        %add3A_164 = arith.addi %mul3A_115, %add3A_163 : i32
        %dma_wait3A_165 = arith.constant 0 : i32
        %dma_wait3A_166 = tpu.memref_slice %arg8[%add3A_164, %dma_wait3A_165] : memref<157x128xi32, #tpu.memory_space<vmem>> -> memref<1x128xi32, #tpu.memory_space<vmem>>
        %dma_wait3A_167 = tpu.memref_squeeze %dma_wait3A_166 : memref<1x128xi32, #tpu.memory_space<vmem>> -> memref<128xi32, #tpu.memory_space<vmem>>
        %dma_wait3A_168 = arith.constant 0 : i32
        %dma_wait3A_169 = arith.constant 0 : i32
        %dma_wait3A_170 = tpu.memref_slice %arg23[%dma_wait3A_168, %dma_wait3A_169] : memref<10240x64xf32, #tpu.memory_space<vmem_shared>> -> memref<10240x64xf32, #tpu.memory_space<vmem_shared>>
        tpu.wait_indirect_dma semaphore(%arg20 : memref<!tpu.dma_semaphore, #tpu.memory_space<semaphore_mem>>) src(%arg9 : memref<128x64xf32, #tpu.memory_space<vmem>>) dst(%dma_wait3A_170 : memref<10240x64xf32, #tpu.memory_space<vmem_shared>>)
        %add3A_171 = arith.constant 0 : i32
        %add3A_172 = arith.addi %mul3A_115, %add3A_171 : i32
        %add3A_173 = arith.constant 3 : i32
        %add3A_174 = arith.addi %add3A_172, %add3A_173 : i32
        %min3A = arith.constant 155 : i32
        %min3A_175 = arith.minsi %add3A_174, %min3A : i32
        %dma_start3A_176 = arith.constant 0 : i32
        %dma_start3A_177 = tpu.memref_slice %arg7[%min3A_175, %dma_start3A_176] : memref<157x128xi32, #tpu.memory_space<vmem>> -> memref<1x128xi32, #tpu.memory_space<vmem>>
        %dma_start3A_178 = tpu.memref_squeeze %dma_start3A_177 : memref<1x128xi32, #tpu.memory_space<vmem>> -> memref<128xi32, #tpu.memory_space<vmem>>
        %dma_start3A_179 = arith.constant 0 : i32
        %dma_start3A_180 = arith.constant 0 : i32
        %dma_start3A_181 = tpu.memref_slice %arg6[%dma_start3A_179, %dma_start3A_180] : memref<10240x64xf32, #tpu.memory_space<hbm>> -> memref<10240x64xf32, #tpu.memory_space<hbm>>
        tpu.enqueue_indirect_dma source(%dma_start3A_181 : memref<10240x64xf32, #tpu.memory_space<hbm>>) target(%arg9 : memref<128x64xf32, #tpu.memory_space<vmem>>) offsets(%dma_start3A_178 : memref<128xi32, #tpu.memory_space<vmem>>) semaphore(%arg17 : memref<!tpu.dma_semaphore, #tpu.memory_space<semaphore_mem>>)
        %add3A_182 = arith.constant 1 : i32
        %add3A_183 = arith.addi %mul3A_115, %add3A_182 : i32
        %dma_wait3A_184 = arith.constant 0 : i32
        %dma_wait3A_185 = tpu.memref_slice %arg8[%add3A_183, %dma_wait3A_184] : memref<157x128xi32, #tpu.memory_space<vmem>> -> memref<1x128xi32, #tpu.memory_space<vmem>>
        %dma_wait3A_186 = tpu.memref_squeeze %dma_wait3A_185 : memref<1x128xi32, #tpu.memory_space<vmem>> -> memref<128xi32, #tpu.memory_space<vmem>>
        %dma_wait3A_187 = arith.constant 0 : i32
        %dma_wait3A_188 = arith.constant 0 : i32
        %dma_wait3A_189 = tpu.memref_slice %arg23[%dma_wait3A_187, %dma_wait3A_188] : memref<10240x64xf32, #tpu.memory_space<vmem_shared>> -> memref<10240x64xf32, #tpu.memory_space<vmem_shared>>
        tpu.wait_indirect_dma semaphore(%arg21 : memref<!tpu.dma_semaphore, #tpu.memory_space<semaphore_mem>>) src(%arg10 : memref<128x64xf32, #tpu.memory_space<vmem>>) dst(%dma_wait3A_189 : memref<10240x64xf32, #tpu.memory_space<vmem_shared>>)
        %add3A_190 = arith.constant 1 : i32
        %add3A_191 = arith.addi %mul3A_115, %add3A_190 : i32
        %add3A_192 = arith.constant 3 : i32
        %add3A_193 = arith.addi %add3A_191, %add3A_192 : i32
        %min3A_194 = arith.constant 155 : i32
        %min3A_195 = arith.minsi %add3A_193, %min3A_194 : i32
        %dma_start3A_196 = arith.constant 0 : i32
        %dma_start3A_197 = tpu.memref_slice %arg7[%min3A_195, %dma_start3A_196] : memref<157x128xi32, #tpu.memory_space<vmem>> -> memref<1x128xi32, #tpu.memory_space<vmem>>
        %dma_start3A_198 = tpu.memref_squeeze %dma_start3A_197 : memref<1x128xi32, #tpu.memory_space<vmem>> -> memref<128xi32, #tpu.memory_space<vmem>>
        %dma_start3A_199 = arith.constant 0 : i32
        %dma_start3A_200 = arith.constant 0 : i32
        %dma_start3A_201 = tpu.memref_slice %arg6[%dma_start3A_199, %dma_start3A_200] : memref<10240x64xf32, #tpu.memory_space<hbm>> -> memref<10240x64xf32, #tpu.memory_space<hbm>>
        tpu.enqueue_indirect_dma source(%dma_start3A_201 : memref<10240x64xf32, #tpu.memory_space<hbm>>) target(%arg10 : memref<128x64xf32, #tpu.memory_space<vmem>>) offsets(%dma_start3A_198 : memref<128xi32, #tpu.memory_space<vmem>>) semaphore(%arg18 : memref<!tpu.dma_semaphore, #tpu.memory_space<semaphore_mem>>)
        %add3A_202 = arith.constant 2 : i32
        %add3A_203 = arith.addi %mul3A_115, %add3A_202 : i32
        %dma_wait3A_204 = arith.constant 0 : i32
        %dma_wait3A_205 = tpu.memref_slice %arg8[%add3A_203, %dma_wait3A_204] : memref<157x128xi32, #tpu.memory_space<vmem>> -> memref<1x128xi32, #tpu.memory_space<vmem>>
        %dma_wait3A_206 = tpu.memref_squeeze %dma_wait3A_205 : memref<1x128xi32, #tpu.memory_space<vmem>> -> memref<128xi32, #tpu.memory_space<vmem>>
        %dma_wait3A_207 = arith.constant 0 : i32
        %dma_wait3A_208 = arith.constant 0 : i32
        %dma_wait3A_209 = tpu.memref_slice %arg23[%dma_wait3A_207, %dma_wait3A_208] : memref<10240x64xf32, #tpu.memory_space<vmem_shared>> -> memref<10240x64xf32, #tpu.memory_space<vmem_shared>>
        tpu.wait_indirect_dma semaphore(%arg22 : memref<!tpu.dma_semaphore, #tpu.memory_space<semaphore_mem>>) src(%arg11 : memref<128x64xf32, #tpu.memory_space<vmem>>) dst(%dma_wait3A_209 : memref<10240x64xf32, #tpu.memory_space<vmem_shared>>)
        %add3A_210 = arith.constant 2 : i32
        %add3A_211 = arith.addi %mul3A_115, %add3A_210 : i32
        %add3A_212 = arith.constant 3 : i32
        %add3A_213 = arith.addi %add3A_211, %add3A_212 : i32
        %min3A_214 = arith.constant 155 : i32
        %min3A_215 = arith.minsi %add3A_213, %min3A_214 : i32
        %dma_start3A_216 = arith.constant 0 : i32
        %dma_start3A_217 = tpu.memref_slice %arg7[%min3A_215, %dma_start3A_216] : memref<157x128xi32, #tpu.memory_space<vmem>> -> memref<1x128xi32, #tpu.memory_space<vmem>>
        %dma_start3A_218 = tpu.memref_squeeze %dma_start3A_217 : memref<1x128xi32, #tpu.memory_space<vmem>> -> memref<128xi32, #tpu.memory_space<vmem>>
        %dma_start3A_219 = arith.constant 0 : i32
        %dma_start3A_220 = arith.constant 0 : i32
        %dma_start3A_221 = tpu.memref_slice %arg6[%dma_start3A_219, %dma_start3A_220] : memref<10240x64xf32, #tpu.memory_space<hbm>> -> memref<10240x64xf32, #tpu.memory_space<hbm>>
        tpu.enqueue_indirect_dma source(%dma_start3A_221 : memref<10240x64xf32, #tpu.memory_space<hbm>>) target(%arg11 : memref<128x64xf32, #tpu.memory_space<vmem>>) offsets(%dma_start3A_218 : memref<128xi32, #tpu.memory_space<vmem>>) semaphore(%arg19 : memref<!tpu.dma_semaphore, #tpu.memory_space<semaphore_mem>>)
      }
      %scan3A_82 = arith.constant 52 : i32
      %dma_wait3A = arith.constant 155 : i32
      %dma_wait3A_83 = arith.constant 0 : i32
      %dma_wait3A_84 = tpu.memref_slice %arg7[%dma_wait3A, %dma_wait3A_83] : memref<157x128xi32, #tpu.memory_space<vmem>> -> memref<1x128xi32, #tpu.memory_space<vmem>>
      %dma_wait3A_85 = tpu.memref_squeeze %dma_wait3A_84 : memref<1x128xi32, #tpu.memory_space<vmem>> -> memref<128xi32, #tpu.memory_space<vmem>>
      %dma_wait3A_86 = arith.constant 0 : i32
      %dma_wait3A_87 = arith.constant 0 : i32
      %dma_wait3A_88 = tpu.memref_slice %arg6[%dma_wait3A_86, %dma_wait3A_87] : memref<10240x64xf32, #tpu.memory_space<hbm>> -> memref<10240x64xf32, #tpu.memory_space<hbm>>
      tpu.wait_indirect_dma semaphore(%arg17 : memref<!tpu.dma_semaphore, #tpu.memory_space<semaphore_mem>>) src(%dma_wait3A_88 : memref<10240x64xf32, #tpu.memory_space<hbm>>) dst(%arg9 : memref<128x64xf32, #tpu.memory_space<vmem>>)
      %dma_wait3A_89 = arith.constant 155 : i32
      %dma_wait3A_90 = arith.constant 0 : i32
      %dma_wait3A_91 = tpu.memref_slice %arg7[%dma_wait3A_89, %dma_wait3A_90] : memref<157x128xi32, #tpu.memory_space<vmem>> -> memref<1x128xi32, #tpu.memory_space<vmem>>
      %dma_wait3A_92 = tpu.memref_squeeze %dma_wait3A_91 : memref<1x128xi32, #tpu.memory_space<vmem>> -> memref<128xi32, #tpu.memory_space<vmem>>
      %dma_wait3A_93 = arith.constant 0 : i32
      %dma_wait3A_94 = arith.constant 0 : i32
      %dma_wait3A_95 = tpu.memref_slice %arg6[%dma_wait3A_93, %dma_wait3A_94] : memref<10240x64xf32, #tpu.memory_space<hbm>> -> memref<10240x64xf32, #tpu.memory_space<hbm>>
      tpu.wait_indirect_dma semaphore(%arg18 : memref<!tpu.dma_semaphore, #tpu.memory_space<semaphore_mem>>) src(%dma_wait3A_95 : memref<10240x64xf32, #tpu.memory_space<hbm>>) dst(%arg10 : memref<128x64xf32, #tpu.memory_space<vmem>>)
      %dma_wait3A_96 = arith.constant 155 : i32
      %dma_wait3A_97 = arith.constant 0 : i32
      %dma_wait3A_98 = tpu.memref_slice %arg7[%dma_wait3A_96, %dma_wait3A_97] : memref<157x128xi32, #tpu.memory_space<vmem>> -> memref<1x128xi32, #tpu.memory_space<vmem>>
      %dma_wait3A_99 = tpu.memref_squeeze %dma_wait3A_98 : memref<1x128xi32, #tpu.memory_space<vmem>> -> memref<128xi32, #tpu.memory_space<vmem>>
      %dma_wait3A_100 = arith.constant 0 : i32
      %dma_wait3A_101 = arith.constant 0 : i32
      %dma_wait3A_102 = tpu.memref_slice %arg6[%dma_wait3A_100, %dma_wait3A_101] : memref<10240x64xf32, #tpu.memory_space<hbm>> -> memref<10240x64xf32, #tpu.memory_space<hbm>>
      tpu.wait_indirect_dma semaphore(%arg19 : memref<!tpu.dma_semaphore, #tpu.memory_space<semaphore_mem>>) src(%dma_wait3A_102 : memref<10240x64xf32, #tpu.memory_space<hbm>>) dst(%arg11 : memref<128x64xf32, #tpu.memory_space<vmem>>)
      %run_scoped3A = arith.constant 156 : i32
      "tpu.region"() ({
        %run_scoped3A_113 = tpu.sem_alloc : memref<!tpu.dma_semaphore, #tpu.memory_space<semaphore_mem>>
        %dma_start3A_114 = arith.constant 0 : i32
        %dma_start3A_115 = tpu.memref_slice %arg7[%run_scoped3A, %dma_start3A_114] : memref<157x128xi32, #tpu.memory_space<vmem>> -> memref<1x128xi32, #tpu.memory_space<vmem>>
        %dma_start3A_116 = tpu.memref_squeeze %dma_start3A_115 : memref<1x128xi32, #tpu.memory_space<vmem>> -> memref<128xi32, #tpu.memory_space<vmem>>
        %dma_start3A_117 = arith.constant 0 : i32
        %dma_start3A_118 = arith.constant 0 : i32
        %dma_start3A_119 = tpu.memref_slice %arg6[%dma_start3A_117, %dma_start3A_118] : memref<10240x64xf32, #tpu.memory_space<hbm>> -> memref<10240x64xf32, #tpu.memory_space<hbm>>
        tpu.enqueue_indirect_dma source(%dma_start3A_119 : memref<10240x64xf32, #tpu.memory_space<hbm>>) target(%arg9 : memref<128x64xf32, #tpu.memory_space<vmem>>) offsets(%dma_start3A_116 : memref<128xi32, #tpu.memory_space<vmem>>) semaphore(%run_scoped3A_113 : memref<!tpu.dma_semaphore, #tpu.memory_space<semaphore_mem>>)
        %dma_wait3A_120 = arith.constant 0 : i32
        %dma_wait3A_121 = tpu.memref_slice %arg7[%run_scoped3A, %dma_wait3A_120] : memref<157x128xi32, #tpu.memory_space<vmem>> -> memref<1x128xi32, #tpu.memory_space<vmem>>
        %dma_wait3A_122 = tpu.memref_squeeze %dma_wait3A_121 : memref<1x128xi32, #tpu.memory_space<vmem>> -> memref<128xi32, #tpu.memory_space<vmem>>
        %dma_wait3A_123 = arith.constant 0 : i32
        %dma_wait3A_124 = arith.constant 0 : i32
        %dma_wait3A_125 = tpu.memref_slice %arg6[%dma_wait3A_123, %dma_wait3A_124] : memref<10240x64xf32, #tpu.memory_space<hbm>> -> memref<10240x64xf32, #tpu.memory_space<hbm>>
        tpu.wait_indirect_dma semaphore(%run_scoped3A_113 : memref<!tpu.dma_semaphore, #tpu.memory_space<semaphore_mem>>) src(%dma_wait3A_125 : memref<10240x64xf32, #tpu.memory_space<hbm>>) dst(%arg9 : memref<128x64xf32, #tpu.memory_space<vmem>>)
        tpu.yield
      }) : () -> ()
      %run_scoped3A_103 = arith.constant 156 : i32
      "tpu.region"() ({
        %run_scoped3A_113 = tpu.sem_alloc : memref<!tpu.dma_semaphore, #tpu.memory_space<semaphore_mem>>
        %dma_start3A_114 = arith.constant 0 : i32
        %dma_start3A_115 = tpu.memref_slice %arg8[%run_scoped3A_103, %dma_start3A_114] : memref<157x128xi32, #tpu.memory_space<vmem>> -> memref<1x128xi32, #tpu.memory_space<vmem>>
        %dma_start3A_116 = tpu.memref_squeeze %dma_start3A_115 : memref<1x128xi32, #tpu.memory_space<vmem>> -> memref<128xi32, #tpu.memory_space<vmem>>
        %dma_start3A_117 = arith.constant 0 : i32
        %dma_start3A_118 = arith.constant 0 : i32
        %dma_start3A_119 = tpu.memref_slice %arg23[%dma_start3A_117, %dma_start3A_118] : memref<10240x64xf32, #tpu.memory_space<vmem_shared>> -> memref<10240x64xf32, #tpu.memory_space<vmem_shared>>
        tpu.enqueue_indirect_dma source(%arg9 : memref<128x64xf32, #tpu.memory_space<vmem>>) target(%dma_start3A_119 : memref<10240x64xf32, #tpu.memory_space<vmem_shared>>) offsets(%dma_start3A_116 : memref<128xi32, #tpu.memory_space<vmem>>) semaphore(%run_scoped3A_113 : memref<!tpu.dma_semaphore, #tpu.memory_space<semaphore_mem>>) {add = true}
        %dma_wait3A_120 = arith.constant 0 : i32
        %dma_wait3A_121 = tpu.memref_slice %arg8[%run_scoped3A_103, %dma_wait3A_120] : memref<157x128xi32, #tpu.memory_space<vmem>> -> memref<1x128xi32, #tpu.memory_space<vmem>>
        %dma_wait3A_122 = tpu.memref_squeeze %dma_wait3A_121 : memref<1x128xi32, #tpu.memory_space<vmem>> -> memref<128xi32, #tpu.memory_space<vmem>>
        %dma_wait3A_123 = arith.constant 0 : i32
        %dma_wait3A_124 = arith.constant 0 : i32
        %dma_wait3A_125 = tpu.memref_slice %arg23[%dma_wait3A_123, %dma_wait3A_124] : memref<10240x64xf32, #tpu.memory_space<vmem_shared>> -> memref<10240x64xf32, #tpu.memory_space<vmem_shared>>
        tpu.wait_indirect_dma semaphore(%run_scoped3A_113 : memref<!tpu.dma_semaphore, #tpu.memory_space<semaphore_mem>>) src(%arg9 : memref<128x64xf32, #tpu.memory_space<vmem>>) dst(%dma_wait3A_125 : memref<10240x64xf32, #tpu.memory_space<vmem_shared>>)
        tpu.yield
      }) : () -> ()
      %barrier3A_104 = arith.constant 0 : index
      tpu.barrier barrier_id(%barrier3A_104)
      %barrier3A_105 = arith.constant 0 : index
      tpu.barrier barrier_id(%barrier3A_105)
      %scan3A_106 = arith.constant 0 : i32
      %scan3A_107 = arith.constant 0 : i32
      %scan3A_108 = arith.constant 5 : i32
      %scan3A_109 = arith.addi %scan3A_107, %scan3A_108 : i32
      %scan3A_110 = arith.constant 1 : i32
      scf.for %scan3A_113 = %scan3A_107 to %scan3A_109 step %scan3A_110  : i32 {
        %mul3A_114 = arith.constant 128 : i32
        %mul3A_115 = arith.muli %scan3A_113, %mul3A_114 : i32
        %add3A = arith.addi %mul3A_0, %mul3A_115 : i32
        "tpu.region"() ({
          %run_scoped3A_122 = tpu.sem_alloc : memref<!tpu.dma_semaphore, #tpu.memory_space<semaphore_mem>>
          %dma_start3A_123 = arith.constant 0 : i32
          %dma_start3A_124 = tpu.memref_slice %arg23[%add3A, %dma_start3A_123] : memref<10240x64xf32, #tpu.memory_space<vmem_shared>> -> memref<128x64xf32, #tpu.memory_space<vmem_shared>>
          %dma_start3A_125 = arith.constant 0 : i32
          %dma_start3A_126 = tpu.memref_slice %arg23[%add3A, %dma_start3A_125] : memref<10240x64xf32, #tpu.memory_space<vmem_shared>> -> memref<128x64xf32, #tpu.memory_space<vmem_shared>>
          tpu.enqueue_dma source(%dma_start3A_126 : memref<128x64xf32, #tpu.memory_space<vmem_shared>>) target(%arg10 : memref<128x64xf32, #tpu.memory_space<vmem>>) target_semaphore(%run_scoped3A_122 : memref<!tpu.dma_semaphore, #tpu.memory_space<semaphore_mem>>)
          %dma_wait3A_127 = arith.constant 0 : i32
          %dma_wait3A_128 = tpu.memref_slice %arg23[%add3A, %dma_wait3A_127] : memref<10240x64xf32, #tpu.memory_space<vmem_shared>> -> memref<128x64xf32, #tpu.memory_space<vmem_shared>>
          %dma_wait3A_129 = arith.constant 0 : i32
          %dma_wait3A_130 = tpu.memref_slice %arg23[%add3A, %dma_wait3A_129] : memref<10240x64xf32, #tpu.memory_space<vmem_shared>> -> memref<128x64xf32, #tpu.memory_space<vmem_shared>>
          tpu.wait_dma2 semaphore(%run_scoped3A_122 : memref<!tpu.dma_semaphore, #tpu.memory_space<semaphore_mem>>) src(%dma_wait3A_130 : memref<128x64xf32, #tpu.memory_space<vmem_shared>>) dst(%arg10 : memref<128x64xf32, #tpu.memory_space<vmem>>)
          tpu.yield
        }) : () -> ()
        "tpu.region"() ({
          %run_scoped3A_122 = tpu.sem_alloc : memref<!tpu.dma_semaphore, #tpu.memory_space<semaphore_mem>>
          %dma_start3A_123 = arith.constant 0 : i32
          %dma_start3A_124 = tpu.memref_slice %arg6[%add3A, %dma_start3A_123] : memref<10240x64xf32, #tpu.memory_space<hbm>> -> memref<128x64xf32, #tpu.memory_space<hbm>>
          %dma_start3A_125 = arith.constant 0 : i32
          %dma_start3A_126 = tpu.memref_slice %arg6[%add3A, %dma_start3A_125] : memref<10240x64xf32, #tpu.memory_space<hbm>> -> memref<128x64xf32, #tpu.memory_space<hbm>>
          tpu.enqueue_dma source(%dma_start3A_126 : memref<128x64xf32, #tpu.memory_space<hbm>>) target(%arg11 : memref<128x64xf32, #tpu.memory_space<vmem>>) target_semaphore(%run_scoped3A_122 : memref<!tpu.dma_semaphore, #tpu.memory_space<semaphore_mem>>)
          %dma_wait3A_127 = arith.constant 0 : i32
          %dma_wait3A_128 = tpu.memref_slice %arg6[%add3A, %dma_wait3A_127] : memref<10240x64xf32, #tpu.memory_space<hbm>> -> memref<128x64xf32, #tpu.memory_space<hbm>>
          %dma_wait3A_129 = arith.constant 0 : i32
          %dma_wait3A_130 = tpu.memref_slice %arg6[%add3A, %dma_wait3A_129] : memref<10240x64xf32, #tpu.memory_space<hbm>> -> memref<128x64xf32, #tpu.memory_space<hbm>>
          tpu.wait_dma2 semaphore(%run_scoped3A_122 : memref<!tpu.dma_semaphore, #tpu.memory_space<semaphore_mem>>) src(%dma_wait3A_130 : memref<128x64xf32, #tpu.memory_space<hbm>>) dst(%arg11 : memref<128x64xf32, #tpu.memory_space<vmem>>)
          tpu.yield
        }) : () -> ()
        "tpu.region"() ({
          %run_scoped3A_122 = tpu.sem_alloc : memref<!tpu.dma_semaphore, #tpu.memory_space<semaphore_mem>>
          %dma_start3A_123 = arith.constant 0 : i32
          %dma_start3A_124 = tpu.memref_slice %arg2[%add3A, %dma_start3A_123] : memref<10240x64xf32, #tpu.memory_space<hbm>> -> memref<128x64xf32, #tpu.memory_space<hbm>>
          %dma_start3A_125 = arith.constant 0 : i32
          %dma_start3A_126 = tpu.memref_slice %arg2[%add3A, %dma_start3A_125] : memref<10240x64xf32, #tpu.memory_space<hbm>> -> memref<128x64xf32, #tpu.memory_space<hbm>>
          tpu.enqueue_dma source(%dma_start3A_126 : memref<128x64xf32, #tpu.memory_space<hbm>>) target(%arg12 : memref<128x64xf32, #tpu.memory_space<vmem>>) target_semaphore(%run_scoped3A_122 : memref<!tpu.dma_semaphore, #tpu.memory_space<semaphore_mem>>)
          %dma_wait3A_127 = arith.constant 0 : i32
          %dma_wait3A_128 = tpu.memref_slice %arg2[%add3A, %dma_wait3A_127] : memref<10240x64xf32, #tpu.memory_space<hbm>> -> memref<128x64xf32, #tpu.memory_space<hbm>>
          %dma_wait3A_129 = arith.constant 0 : i32
          %dma_wait3A_130 = tpu.memref_slice %arg2[%add3A, %dma_wait3A_129] : memref<10240x64xf32, #tpu.memory_space<hbm>> -> memref<128x64xf32, #tpu.memory_space<hbm>>
          tpu.wait_dma2 semaphore(%run_scoped3A_122 : memref<!tpu.dma_semaphore, #tpu.memory_space<semaphore_mem>>) src(%dma_wait3A_130 : memref<128x64xf32, #tpu.memory_space<hbm>>) dst(%arg12 : memref<128x64xf32, #tpu.memory_space<vmem>>)
          tpu.yield
        }) : () -> ()
        "tpu.region"() ({
          %run_scoped3A_122 = tpu.sem_alloc : memref<!tpu.dma_semaphore, #tpu.memory_space<semaphore_mem>>
          %dma_start3A_123 = arith.constant 0 : i32
          %dma_start3A_124 = tpu.memref_slice %arg23[%add3A, %dma_start3A_123] : memref<10240x64xf32, #tpu.memory_space<vmem_shared>> -> memref<128x64xf32, #tpu.memory_space<vmem_shared>>
          %dma_start3A_125 = arith.constant 0 : i32
          %dma_start3A_126 = tpu.memref_slice %arg23[%add3A, %dma_start3A_125] : memref<10240x64xf32, #tpu.memory_space<vmem_shared>> -> memref<128x64xf32, #tpu.memory_space<vmem_shared>>
          tpu.enqueue_dma source(%arg13 : memref<128x64xf32, #tpu.memory_space<vmem>>) target(%dma_start3A_126 : memref<128x64xf32, #tpu.memory_space<vmem_shared>>) target_semaphore(%run_scoped3A_122 : memref<!tpu.dma_semaphore, #tpu.memory_space<semaphore_mem>>)
          %dma_wait3A_127 = arith.constant 0 : i32
          %dma_wait3A_128 = tpu.memref_slice %arg23[%add3A, %dma_wait3A_127] : memref<10240x64xf32, #tpu.memory_space<vmem_shared>> -> memref<128x64xf32, #tpu.memory_space<vmem_shared>>
          %dma_wait3A_129 = arith.constant 0 : i32
          %dma_wait3A_130 = tpu.memref_slice %arg23[%add3A, %dma_wait3A_129] : memref<10240x64xf32, #tpu.memory_space<vmem_shared>> -> memref<128x64xf32, #tpu.memory_space<vmem_shared>>
          tpu.wait_dma2 semaphore(%run_scoped3A_122 : memref<!tpu.dma_semaphore, #tpu.memory_space<semaphore_mem>>) src(%arg13 : memref<128x64xf32, #tpu.memory_space<vmem>>) dst(%dma_wait3A_130 : memref<128x64xf32, #tpu.memory_space<vmem_shared>>)
          tpu.yield
        }) : () -> ()
        %scan3A_116 = arith.constant 0 : i32
        %scan3A_117 = arith.constant 0 : i32
        %scan3A_118 = arith.constant 128 : i32
        %scan3A_119 = arith.addi %scan3A_117, %scan3A_118 : i32
        %scan3A_120 = arith.constant 1 : i32
        scf.for %scan3A_122 = %scan3A_117 to %scan3A_119 step %scan3A_120  : i32 {
          %mul3A_123 = arith.constant 128 : i32
          %mul3A_124 = arith.muli %scan3A_113, %mul3A_123 : i32
          %add3A_125 = arith.addi %mul3A_124, %scan3A_122 : i32
          %broadcast_in_dim3A = vector.broadcast %add3A_125 : i32 to vector<16xi32>
          %gather3A = tpu.vector_load_idx %arg15[%broadcast_in_dim3A] : memref<640xf32, #tpu.memory_space<vmem>>[vector<16xi32>], vector<16xf32>,
          %mul3A_126 = arith.constant 0.899999976 : f32
          %mul3A_127 = vector.broadcast %mul3A_126 : f32 to vector<16xf32>
          %mul3A_128 = arith.mulf %mul3A_127, %gather3A : vector<16xf32>
          %mul3A_129 = arith.mulf %mul3A_128, %gather3A : vector<16xf32>
          %mul3A_130 = arith.constant 1.000000e-01 : f32
          %mul3A_131 = vector.broadcast %mul3A_130 : f32 to vector<16xf32>
          %mul3A_132 = arith.mulf %mul3A_131, %gather3A : vector<16xf32>
          %get3A = arith.index_cast %scan3A_122 : i32 to index
          %get3A_133 = arith.constant 0 : index
          %get3A_134 = tpu.vector_load %arg10[%get3A, %get3A_133] {strides = array<i32>} : memref<128x64xf32, #tpu.memory_space<vmem>>, vector<16xf32>,
          %get3A_135 = arith.index_cast %scan3A_122 : i32 to index
          %get3A_136 = arith.constant 0 : index
          %get3A_137 = tpu.vector_load %arg11[%get3A_135, %get3A_136] {strides = array<i32>} : memref<128x64xf32, #tpu.memory_space<vmem>>, vector<16xf32>,
          %add3A_138 = arith.addf %get3A_134, %get3A_137 : vector<16xf32>
          %mul3A_139 = arith.mulf %mul3A_129, %add3A_138 : vector<16xf32>
          %get3A_140 = arith.index_cast %scan3A_122 : i32 to index
          %get3A_141 = arith.constant 0 : index
          %get3A_142 = tpu.vector_load %arg12[%get3A_140, %get3A_141] {strides = array<i32>} : memref<128x64xf32, #tpu.memory_space<vmem>>, vector<16xf32>,
          %mul3A_143 = arith.mulf %mul3A_132, %get3A_142 : vector<16xf32>
          %add3A_144 = arith.addf %mul3A_139, %mul3A_143 : vector<16xf32>
          %swap3A = arith.index_cast %scan3A_122 : i32 to index
          %swap3A_145 = arith.constant 0 : index
          %swap3A_146 = tpu.vector_load %arg11[%swap3A, %swap3A_145] {strides = array<i32>} : memref<128x64xf32, #tpu.memory_space<vmem>>, vector<16xf32>,
          tpu.vector_store %arg11[%swap3A, %swap3A_145], %add3A_144 {strides = array<i32>} : memref<128x64xf32, #tpu.memory_space<vmem>>, vector<16xf32>,
          %get3A_147 = arith.index_cast %scan3A_122 : i32 to index
          %get3A_148 = arith.constant 16 : index
          %get3A_149 = tpu.vector_load %arg10[%get3A_147, %get3A_148] {strides = array<i32>} : memref<128x64xf32, #tpu.memory_space<vmem>>, vector<16xf32>,
          %get3A_150 = arith.index_cast %scan3A_122 : i32 to index
          %get3A_151 = arith.constant 16 : index
          %get3A_152 = tpu.vector_load %arg11[%get3A_150, %get3A_151] {strides = array<i32>} : memref<128x64xf32, #tpu.memory_space<vmem>>, vector<16xf32>,
          %add3A_153 = arith.addf %get3A_149, %get3A_152 : vector<16xf32>
          %mul3A_154 = arith.mulf %mul3A_129, %add3A_153 : vector<16xf32>
          %get3A_155 = arith.index_cast %scan3A_122 : i32 to index
          %get3A_156 = arith.constant 16 : index
          %get3A_157 = tpu.vector_load %arg12[%get3A_155, %get3A_156] {strides = array<i32>} : memref<128x64xf32, #tpu.memory_space<vmem>>, vector<16xf32>,
          %mul3A_158 = arith.mulf %mul3A_132, %get3A_157 : vector<16xf32>
          %add3A_159 = arith.addf %mul3A_154, %mul3A_158 : vector<16xf32>
          %swap3A_160 = arith.index_cast %scan3A_122 : i32 to index
          %swap3A_161 = arith.constant 16 : index
          %swap3A_162 = tpu.vector_load %arg11[%swap3A_160, %swap3A_161] {strides = array<i32>} : memref<128x64xf32, #tpu.memory_space<vmem>>, vector<16xf32>,
          tpu.vector_store %arg11[%swap3A_160, %swap3A_161], %add3A_159 {strides = array<i32>} : memref<128x64xf32, #tpu.memory_space<vmem>>, vector<16xf32>,
          %get3A_163 = arith.index_cast %scan3A_122 : i32 to index
          %get3A_164 = arith.constant 32 : index
          %get3A_165 = tpu.vector_load %arg10[%get3A_163, %get3A_164] {strides = array<i32>} : memref<128x64xf32, #tpu.memory_space<vmem>>, vector<16xf32>,
          %get3A_166 = arith.index_cast %scan3A_122 : i32 to index
          %get3A_167 = arith.constant 32 : index
          %get3A_168 = tpu.vector_load %arg11[%get3A_166, %get3A_167] {strides = array<i32>} : memref<128x64xf32, #tpu.memory_space<vmem>>, vector<16xf32>,
          %add3A_169 = arith.addf %get3A_165, %get3A_168 : vector<16xf32>
          %mul3A_170 = arith.mulf %mul3A_129, %add3A_169 : vector<16xf32>
          %get3A_171 = arith.index_cast %scan3A_122 : i32 to index
          %get3A_172 = arith.constant 32 : index
          %get3A_173 = tpu.vector_load %arg12[%get3A_171, %get3A_172] {strides = array<i32>} : memref<128x64xf32, #tpu.memory_space<vmem>>, vector<16xf32>,
          %mul3A_174 = arith.mulf %mul3A_132, %get3A_173 : vector<16xf32>
          %add3A_175 = arith.addf %mul3A_170, %mul3A_174 : vector<16xf32>
          %swap3A_176 = arith.index_cast %scan3A_122 : i32 to index
          %swap3A_177 = arith.constant 32 : index
          %swap3A_178 = tpu.vector_load %arg11[%swap3A_176, %swap3A_177] {strides = array<i32>} : memref<128x64xf32, #tpu.memory_space<vmem>>, vector<16xf32>,
          tpu.vector_store %arg11[%swap3A_176, %swap3A_177], %add3A_175 {strides = array<i32>} : memref<128x64xf32, #tpu.memory_space<vmem>>, vector<16xf32>,
          %get3A_179 = arith.index_cast %scan3A_122 : i32 to index
          %get3A_180 = arith.constant 48 : index
          %get3A_181 = tpu.vector_load %arg10[%get3A_179, %get3A_180] {strides = array<i32>} : memref<128x64xf32, #tpu.memory_space<vmem>>, vector<16xf32>,
          %get3A_182 = arith.index_cast %scan3A_122 : i32 to index
          %get3A_183 = arith.constant 48 : index
          %get3A_184 = tpu.vector_load %arg11[%get3A_182, %get3A_183] {strides = array<i32>} : memref<128x64xf32, #tpu.memory_space<vmem>>, vector<16xf32>,
          %add3A_185 = arith.addf %get3A_181, %get3A_184 : vector<16xf32>
          %mul3A_186 = arith.mulf %mul3A_129, %add3A_185 : vector<16xf32>
          %get3A_187 = arith.index_cast %scan3A_122 : i32 to index
          %get3A_188 = arith.constant 48 : index
          %get3A_189 = tpu.vector_load %arg12[%get3A_187, %get3A_188] {strides = array<i32>} : memref<128x64xf32, #tpu.memory_space<vmem>>, vector<16xf32>,
          %mul3A_190 = arith.mulf %mul3A_132, %get3A_189 : vector<16xf32>
          %add3A_191 = arith.addf %mul3A_186, %mul3A_190 : vector<16xf32>
          %swap3A_192 = arith.index_cast %scan3A_122 : i32 to index
          %swap3A_193 = arith.constant 48 : index
          %swap3A_194 = tpu.vector_load %arg11[%swap3A_192, %swap3A_193] {strides = array<i32>} : memref<128x64xf32, #tpu.memory_space<vmem>>, vector<16xf32>,
          tpu.vector_store %arg11[%swap3A_192, %swap3A_193], %add3A_191 {strides = array<i32>} : memref<128x64xf32, #tpu.memory_space<vmem>>, vector<16xf32>,
        }
        %scan3A_121 = arith.constant 128 : i32
        "tpu.region"() ({
          %run_scoped3A_122 = tpu.sem_alloc : memref<!tpu.dma_semaphore, #tpu.memory_space<semaphore_mem>>
          %dma_start3A_123 = arith.constant 0 : i32
          %dma_start3A_124 = tpu.memref_slice %arg6[%add3A, %dma_start3A_123] : memref<10240x64xf32, #tpu.memory_space<hbm>> -> memref<128x64xf32, #tpu.memory_space<hbm>>
          %dma_start3A_125 = arith.constant 0 : i32
          %dma_start3A_126 = tpu.memref_slice %arg6[%add3A, %dma_start3A_125] : memref<10240x64xf32, #tpu.memory_space<hbm>> -> memref<128x64xf32, #tpu.memory_space<hbm>>
          tpu.enqueue_dma source(%arg11 : memref<128x64xf32, #tpu.memory_space<vmem>>) target(%dma_start3A_126 : memref<128x64xf32, #tpu.memory_space<hbm>>) target_semaphore(%run_scoped3A_122 : memref<!tpu.dma_semaphore, #tpu.memory_space<semaphore_mem>>)
          %dma_wait3A_127 = arith.constant 0 : i32
          %dma_wait3A_128 = tpu.memref_slice %arg6[%add3A, %dma_wait3A_127] : memref<10240x64xf32, #tpu.memory_space<hbm>> -> memref<128x64xf32, #tpu.memory_space<hbm>>
          %dma_wait3A_129 = arith.constant 0 : i32
          %dma_wait3A_130 = tpu.memref_slice %arg6[%add3A, %dma_wait3A_129] : memref<10240x64xf32, #tpu.memory_space<hbm>> -> memref<128x64xf32, #tpu.memory_space<hbm>>
          tpu.wait_dma2 semaphore(%run_scoped3A_122 : memref<!tpu.dma_semaphore, #tpu.memory_space<semaphore_mem>>) src(%arg11 : memref<128x64xf32, #tpu.memory_space<vmem>>) dst(%dma_wait3A_130 : memref<128x64xf32, #tpu.memory_space<hbm>>)
          tpu.yield
        }) : () -> ()
      }
      %scan3A_111 = arith.constant 5 : i32
      %barrier3A_112 = arith.constant 0 : index
      tpu.barrier barrier_id(%barrier3A_112)
    }
    %scan3A_49 = arith.constant 10 : i32
    %scan3A_50 = arith.constant 0 : i32
    %scan3A_51 = arith.constant 0 : i32
    %scan3A_52 = arith.constant 5 : i32
    %scan3A_53 = arith.addi %scan3A_51, %scan3A_52 : i32
    %scan3A_54 = arith.constant 1 : i32
    scf.for %scan3A_56 = %scan3A_51 to %scan3A_53 step %scan3A_54  : i32 {
      %mul3A_57 = arith.constant 128 : i32
      %mul3A_58 = arith.muli %scan3A_56, %mul3A_57 : i32
      %add3A = arith.addi %mul3A_0, %mul3A_58 : i32
      "tpu.region"() ({
        %run_scoped3A = tpu.sem_alloc : memref<!tpu.dma_semaphore, #tpu.memory_space<semaphore_mem>>
        %dma_start3A = arith.constant 0 : i32
        %dma_start3A_65 = tpu.memref_slice %arg6[%add3A, %dma_start3A] : memref<10240x64xf32, #tpu.memory_space<hbm>> -> memref<128x64xf32, #tpu.memory_space<hbm>>
        %dma_start3A_66 = arith.constant 0 : i32
        %dma_start3A_67 = tpu.memref_slice %arg6[%add3A, %dma_start3A_66] : memref<10240x64xf32, #tpu.memory_space<hbm>> -> memref<128x64xf32, #tpu.memory_space<hbm>>
        tpu.enqueue_dma source(%dma_start3A_67 : memref<128x64xf32, #tpu.memory_space<hbm>>) target(%arg11 : memref<128x64xf32, #tpu.memory_space<vmem>>) target_semaphore(%run_scoped3A : memref<!tpu.dma_semaphore, #tpu.memory_space<semaphore_mem>>)
        %dma_wait3A = arith.constant 0 : i32
        %dma_wait3A_68 = tpu.memref_slice %arg6[%add3A, %dma_wait3A] : memref<10240x64xf32, #tpu.memory_space<hbm>> -> memref<128x64xf32, #tpu.memory_space<hbm>>
        %dma_wait3A_69 = arith.constant 0 : i32
        %dma_wait3A_70 = tpu.memref_slice %arg6[%add3A, %dma_wait3A_69] : memref<10240x64xf32, #tpu.memory_space<hbm>> -> memref<128x64xf32, #tpu.memory_space<hbm>>
        tpu.wait_dma2 semaphore(%run_scoped3A : memref<!tpu.dma_semaphore, #tpu.memory_space<semaphore_mem>>) src(%dma_wait3A_70 : memref<128x64xf32, #tpu.memory_space<hbm>>) dst(%arg11 : memref<128x64xf32, #tpu.memory_space<vmem>>)
        tpu.yield
      }) : () -> ()
      %scan3A_59 = arith.constant 0 : i32
      %scan3A_60 = arith.constant 0 : i32
      %scan3A_61 = arith.constant 128 : i32
      %scan3A_62 = arith.addi %scan3A_60, %scan3A_61 : i32
      %scan3A_63 = arith.constant 1 : i32
      scf.for %scan3A_65 = %scan3A_60 to %scan3A_62 step %scan3A_63  : i32 {
        %mul3A_66 = arith.constant 128 : i32
        %mul3A_67 = arith.muli %scan3A_56, %mul3A_66 : i32
        %add3A_68 = arith.addi %mul3A_67, %scan3A_65 : i32
        %broadcast_in_dim3A = vector.broadcast %add3A_68 : i32 to vector<16xi32>
        %gather3A = tpu.vector_load_idx %arg15[%broadcast_in_dim3A] : memref<640xf32, #tpu.memory_space<vmem>>[vector<16xi32>], vector<16xf32>,
        %mul3A_69 = arith.constant 128 : i32
        %mul3A_70 = arith.muli %scan3A_56, %mul3A_69 : i32
        %add3A_71 = arith.addi %mul3A_70, %scan3A_65 : i32
        %broadcast_in_dim3A_72 = vector.broadcast %add3A_71 : i32 to vector<16xi32>
        %gather3A_73 = tpu.vector_load_idx %arg14[%broadcast_in_dim3A_72] : memref<640xf32, #tpu.memory_space<vmem>>[vector<16xi32>], vector<16xf32>,
        %mul3A_74 = arith.mulf %gather3A, %gather3A_73 : vector<16xf32>
        %get3A = arith.index_cast %scan3A_65 : i32 to index
        %get3A_75 = arith.constant 0 : index
        %get3A_76 = tpu.vector_load %arg11[%get3A, %get3A_75] {strides = array<i32>} : memref<128x64xf32, #tpu.memory_space<vmem>>, vector<16xf32>,
        %mul3A_77 = arith.mulf %get3A_76, %mul3A_74 : vector<16xf32>
        %swap3A = arith.index_cast %scan3A_65 : i32 to index
        %swap3A_78 = arith.constant 0 : index
        %swap3A_79 = tpu.vector_load %arg11[%swap3A, %swap3A_78] {strides = array<i32>} : memref<128x64xf32, #tpu.memory_space<vmem>>, vector<16xf32>,
        tpu.vector_store %arg11[%swap3A, %swap3A_78], %mul3A_77 {strides = array<i32>} : memref<128x64xf32, #tpu.memory_space<vmem>>, vector<16xf32>,
        %get3A_80 = arith.index_cast %scan3A_65 : i32 to index
        %get3A_81 = arith.constant 16 : index
        %get3A_82 = tpu.vector_load %arg11[%get3A_80, %get3A_81] {strides = array<i32>} : memref<128x64xf32, #tpu.memory_space<vmem>>, vector<16xf32>,
        %mul3A_83 = arith.mulf %get3A_82, %mul3A_74 : vector<16xf32>
        %swap3A_84 = arith.index_cast %scan3A_65 : i32 to index
        %swap3A_85 = arith.constant 16 : index
        %swap3A_86 = tpu.vector_load %arg11[%swap3A_84, %swap3A_85] {strides = array<i32>} : memref<128x64xf32, #tpu.memory_space<vmem>>, vector<16xf32>,
        tpu.vector_store %arg11[%swap3A_84, %swap3A_85], %mul3A_83 {strides = array<i32>} : memref<128x64xf32, #tpu.memory_space<vmem>>, vector<16xf32>,
        %get3A_87 = arith.index_cast %scan3A_65 : i32 to index
        %get3A_88 = arith.constant 32 : index
        %get3A_89 = tpu.vector_load %arg11[%get3A_87, %get3A_88] {strides = array<i32>} : memref<128x64xf32, #tpu.memory_space<vmem>>, vector<16xf32>,
        %mul3A_90 = arith.mulf %get3A_89, %mul3A_74 : vector<16xf32>
        %swap3A_91 = arith.index_cast %scan3A_65 : i32 to index
        %swap3A_92 = arith.constant 32 : index
        %swap3A_93 = tpu.vector_load %arg11[%swap3A_91, %swap3A_92] {strides = array<i32>} : memref<128x64xf32, #tpu.memory_space<vmem>>, vector<16xf32>,
        tpu.vector_store %arg11[%swap3A_91, %swap3A_92], %mul3A_90 {strides = array<i32>} : memref<128x64xf32, #tpu.memory_space<vmem>>, vector<16xf32>,
        %get3A_94 = arith.index_cast %scan3A_65 : i32 to index
        %get3A_95 = arith.constant 48 : index
        %get3A_96 = tpu.vector_load %arg11[%get3A_94, %get3A_95] {strides = array<i32>} : memref<128x64xf32, #tpu.memory_space<vmem>>, vector<16xf32>,
        %mul3A_97 = arith.mulf %get3A_96, %mul3A_74 : vector<16xf32>
        %swap3A_98 = arith.index_cast %scan3A_65 : i32 to index
        %swap3A_99 = arith.constant 48 : index
        %swap3A_100 = tpu.vector_load %arg11[%swap3A_98, %swap3A_99] {strides = array<i32>} : memref<128x64xf32, #tpu.memory_space<vmem>>, vector<16xf32>,
        tpu.vector_store %arg11[%swap3A_98, %swap3A_99], %mul3A_97 {strides = array<i32>} : memref<128x64xf32, #tpu.memory_space<vmem>>, vector<16xf32>,
      }
      %scan3A_64 = arith.constant 128 : i32
      "tpu.region"() ({
        %run_scoped3A = tpu.sem_alloc : memref<!tpu.dma_semaphore, #tpu.memory_space<semaphore_mem>>
        %dma_start3A = arith.constant 0 : i32
        %dma_start3A_65 = tpu.memref_slice %arg5[%add3A, %dma_start3A] : memref<10240x64xf32, #tpu.memory_space<hbm>> -> memref<128x64xf32, #tpu.memory_space<hbm>>
        %dma_start3A_66 = arith.constant 0 : i32
        %dma_start3A_67 = tpu.memref_slice %arg5[%add3A, %dma_start3A_66] : memref<10240x64xf32, #tpu.memory_space<hbm>> -> memref<128x64xf32, #tpu.memory_space<hbm>>
        tpu.enqueue_dma source(%arg11 : memref<128x64xf32, #tpu.memory_space<vmem>>) target(%dma_start3A_67 : memref<128x64xf32, #tpu.memory_space<hbm>>) target_semaphore(%run_scoped3A : memref<!tpu.dma_semaphore, #tpu.memory_space<semaphore_mem>>)
        %dma_wait3A = arith.constant 0 : i32
        %dma_wait3A_68 = tpu.memref_slice %arg5[%add3A, %dma_wait3A] : memref<10240x64xf32, #tpu.memory_space<hbm>> -> memref<128x64xf32, #tpu.memory_space<hbm>>
        %dma_wait3A_69 = arith.constant 0 : i32
        %dma_wait3A_70 = tpu.memref_slice %arg5[%add3A, %dma_wait3A_69] : memref<10240x64xf32, #tpu.memory_space<hbm>> -> memref<128x64xf32, #tpu.memory_space<hbm>>
        tpu.wait_dma2 semaphore(%run_scoped3A : memref<!tpu.dma_semaphore, #tpu.memory_space<semaphore_mem>>) src(%arg11 : memref<128x64xf32, #tpu.memory_space<vmem>>) dst(%dma_wait3A_70 : memref<128x64xf32, #tpu.memory_space<hbm>>)
        tpu.yield
      }) : () -> ()
    }
    %scan3A_55 = arith.constant 5 : i32
    return
  }
}

module attributes {stable_mosaic.version = 14 : i64} {
  func.func @_mlp_body(%arg0: i32, %arg1: memref<1000x128xf32, #tpu.memory_space<vmem>>, %arg2: memref<128x128xf32, #tpu.memory_space<vmem>>, %arg3: memref<1x128xf32, #tpu.memory_space<vmem>>, %arg4: memref<128x64xf32, #tpu.memory_space<vmem>>, %arg5: memref<1x64xf32, #tpu.memory_space<vmem>>, %arg6: memref<1000x64xf32, #tpu.memory_space<vmem>>) attributes {dimension_semantics = [#tpu.dimension_semantics<arbitrary>], iteration_bounds = array<i64: 10>, scalar_prefetch = 0 : i64, scratch_operands = 0 : i64, tpu.core_type = #tpu.core_type<tc>, window_params = [{transform_indices = @transform_0, window_bounds = array<i64: 1000, 128>}, {pipeline_mode = #tpu.pipeline_mode<synchronous>, transform_indices = @transform_1, window_bounds = array<i64: 128, 128>}, {pipeline_mode = #tpu.pipeline_mode<synchronous>, transform_indices = @transform_2, window_bounds = array<i64: 1, 128>}, {pipeline_mode = #tpu.pipeline_mode<synchronous>, transform_indices = @transform_3, window_bounds = array<i64: 128, 64>}, {pipeline_mode = #tpu.pipeline_mode<synchronous>, transform_indices = @transform_4, window_bounds = array<i64: 1, 64>}, {transform_indices = @transform_5, window_bounds = array<i64: 1000, 64>}]} {
    %get3A = arith.constant 0 : index
    %get3A_0 = arith.constant 0 : index
    %get3A_1 = vector.load %arg1[%get3A, %get3A_0] : memref<1000x128xf32, #tpu.memory_space<vmem>>, vector<1000x128xf32>
    %get3A_2 = arith.constant 0 : index
    %get3A_3 = arith.constant 0 : index
    %get3A_4 = vector.load %arg2[%get3A_2, %get3A_3] : memref<128x128xf32, #tpu.memory_space<vmem>>, vector<128x128xf32>
    %dot_general3A = arith.constant dense<0.000000e+00> : vector<1000x128xf32>
    %dot_general3A_5 = tpu.matmul %get3A_1, %get3A_4, %dot_general3A {dimension_numbers = #tpu.dot_dimension_numbers<[1], [0], [0], [1], [0, 0, 1, 1], [], []>, transpose_lhs_hint = false} : vector<1000x128xf32>, vector<128x128xf32>, vector<1000x128xf32> -> vector<1000x128xf32>
    %get3A_6 = arith.constant 0 : index
    %get3A_7 = arith.constant 0 : index
    %get3A_8 = vector.load %arg3[%get3A_6, %get3A_7] : memref<1x128xf32, #tpu.memory_space<vmem>>, vector<1x128xf32>
    %add3A = vector.broadcast %get3A_8 : vector<1x128xf32> to vector<1000x128xf32>
    %add3A_9 = arith.addf %dot_general3A_5, %add3A : vector<1000x128xf32>
    %max3A = arith.constant 0.000000e+00 : f32
    %max3A_10 = vector.broadcast %max3A : f32 to vector<1000x128xf32>
    %max3A_11 = arith.maximumf %add3A_9, %max3A_10 : vector<1000x128xf32>
    %get3A_12 = arith.constant 0 : index
    %get3A_13 = arith.constant 0 : index
    %get3A_14 = vector.load %arg4[%get3A_12, %get3A_13] : memref<128x64xf32, #tpu.memory_space<vmem>>, vector<128x64xf32>
    %dot_general3A_15 = arith.constant dense<0.000000e+00> : vector<1000x64xf32>
    %dot_general3A_16 = tpu.matmul %max3A_11, %get3A_14, %dot_general3A_15 {dimension_numbers = #tpu.dot_dimension_numbers<[1], [0], [0], [1], [0, 0, 1, 1], [], []>, transpose_lhs_hint = false} : vector<1000x128xf32>, vector<128x64xf32>, vector<1000x64xf32> -> vector<1000x64xf32>
    %get3A_17 = arith.constant 0 : index
    %get3A_18 = arith.constant 0 : index
    %get3A_19 = vector.load %arg5[%get3A_17, %get3A_18] : memref<1x64xf32, #tpu.memory_space<vmem>>, vector<1x64xf32>
    %add3A_20 = vector.broadcast %get3A_19 : vector<1x64xf32> to vector<1000x64xf32>
    %add3A_21 = arith.addf %dot_general3A_16, %add3A_20 : vector<1000x64xf32>
    %swap3A = arith.constant 0 : index
    %swap3A_22 = arith.constant 0 : index
    %swap3A_23 = vector.load %arg6[%swap3A, %swap3A_22] : memref<1000x64xf32, #tpu.memory_space<vmem>>, vector<1000x64xf32>
    tpu.vector_store %arg6[%swap3A, %swap3A_22], %add3A_21 {strides = array<i32>} : memref<1000x64xf32, #tpu.memory_space<vmem>>, vector<1000x64xf32>,
    return
  }
  func.func @transform_0(%arg0: i32) -> (i32, i32) {
    %c0_i32 = arith.constant 0 : i32
    %c0_i32_0 = arith.constant 0 : i32
    return %arg0, %c0_i32 : i32, i32
  }
  func.func @transform_1(%arg0: i32) -> (i32, i32) {
    %c0_i32 = arith.constant 0 : i32
    %c0_i32_0 = arith.constant 0 : i32
    %c0_i32_1 = arith.constant 0 : i32
    return %c0_i32, %c0_i32_0 : i32, i32
  }
  func.func @transform_2(%arg0: i32) -> (i32, i32) {
    %c0_i32 = arith.constant 0 : i32
    %c0_i32_0 = arith.constant 0 : i32
    %c0_i32_1 = arith.constant 0 : i32
    return %c0_i32, %c0_i32_0 : i32, i32
  }
  func.func @transform_3(%arg0: i32) -> (i32, i32) {
    %c0_i32 = arith.constant 0 : i32
    %c0_i32_0 = arith.constant 0 : i32
    %c0_i32_1 = arith.constant 0 : i32
    return %c0_i32, %c0_i32_0 : i32, i32
  }
  func.func @transform_4(%arg0: i32) -> (i32, i32) {
    %c0_i32 = arith.constant 0 : i32
    %c0_i32_0 = arith.constant 0 : i32
    %c0_i32_1 = arith.constant 0 : i32
    return %c0_i32, %c0_i32_0 : i32, i32
  }
  func.func @transform_5(%arg0: i32) -> (i32, i32) {
    %c0_i32 = arith.constant 0 : i32
    %c0_i32_0 = arith.constant 0 : i32
    return %arg0, %c0_i32 : i32, i32
  }
}

</mosaic_0001>

<sc_bundles>
// kernel: kernel.4.cloned.1.call-start
scs
__scs_entry_jumppad:
0x0: {  	(pc) =	sbr.rel $0x88, $3  }
0x1: {  	(tag) =	ssettag $0x0;
	lr =	simm.s32 $0x1  }
0x2: {  	[smem:$0x3F9B] =	sst lr;
	_ =	strace $0xD0000000  }
0x3: {  	_ = 	snop  }
0x4: {  	_ = 	snop  }
0x5: {  	_ = 	snop  }
0x6: {  	_ = 	snop  }
0x7: {  	_ = 	snop  }
__scs_overlays_trampoline_lowered:
0x8: {  	[smem:$0x3FAA] =	sst s0  }
0x9: {  	[smem:$0x3FAB] =	sst s1  }
0xa: {  	[smem:$0x3FAC] =	sst s2  }
0xb: {  	[smem:$0x3FAD] =	sst s3  }
0xc: {  	[smem:$0x3FAE] =	sst s4  }
0xd: {  	[smem:$0x3FAF] =	sst s5  }
0xe: {  	[smem:$0x3FB0] =	sst s6  }
0xf: {  	[smem:$0x3FB1] =	sst s7  }
0x10: {  	[smem:$0x3FB2] =	sst s8  }
0x11: {  	[smem:$0x3FB3] =	sst s9;
	s0 =	simm.s32 @!p0 $0x0  }
0x12: {  	s1 =	sld [smem:$0x3F99];
	s0 =	simm.s32 @p0 $0x1  }
0x13: {  	[smem:$0x3FB4] =	sst s0;
	s0 =	simm.s32 @!p1 $0x0  }
0x14: {  	s2 =	sld [smem:$0x3F98];
	s0 =	simm.s32 @p1 $0x1  }
0x15: {  	[smem:$0x3FB5] =	sst s0;
	s0 =	simm.s32 @!p2 $0x0  }
0x16: {  	s3 =	sld [smem:$0x3FDB];
	s0 =	simm.s32 @p2 $0x1  }
0x17: {  	s4 =	simm.s32 $0x1BF5;
	[smem:$0x3FB7] =	sst s0  }
0x18: {  	s0 =	sld [smem:$0x3F9A];
	_ =	swait.ge [sflag:s4], $0x0  }
0x19: {  	s7 =	sld [smem:$0x3F9B]  }
0x1a: {  	s8 =	sadd.s32 $0xFFFFE003, lr  }
0x1b: {  	s9 =	sadd.s32 $0xFFFFFEF7, lr;
	s5 =	simm.s32 $0xFFFFFFFF;
	p2 =	slt.u32 s8, $0xFFFFF086  }
0x1c: {  	p1 =	slt.u32 s9, $0xF7A;
	s5 =	simm.s32 @!p2 $0x0  }
0x1d: {  	s5 =	simm.s32 @p1 $0x1;
	p0 =	seq.s32 s7, s2  }
0x1e: {  	s7 =	smul.u32 @!p0 $0xF7A, s2;
	p2 =	seq.s32 @!p0 s5, $0x0  }
0x1f: {  	s9 =	smul.u32 $0xF7A, s1;
	s8 =	simm.s32 @!p0 $0x1BF5;
	p2 =	por !p2, p0  }
0x20: {  	[sflag:s8] =	ssyncset.s32 @!p0 $0xFFFFF086;
	s6 =	sadd.s32 @!p0 s3, s7;
	s7 =	simm.s32 @!p0 $0x108  }
0x21: {  	s3 =	sadd.s32 s3, s9;
	s6 =	sadd.s32 @!p0 $0x88, s6;
	s7 =	simm.s32 @p2 $0x1082  }
0x22: {  	[simem:s7], [sflag:s8] =	dma.local @!p0 [hbm:s6], $0xF7A  }
0x23: {  	s9 =	sor.u32 $0xD0000000, s2;
	s6 =	simm.s32 $0x108;
	_ =	swait.ge @!p0 [sflag:s8], $0x0  }
0x24: {  	s3 =	sadd.s32 $0x88, s3;
	s6 =	simm.s32 @!p1 $0x1082;
	[sflag:s4] =	ssyncset.s32 $0xFFFFF086  }
0x25: {  	[simem:s6], [sflag:s4] =	dma.local [hbm:s3], $0xF7A  }
0x26: {  	[smem:$0x3F9B] =	sst s1;
	(tag) =	ssettag s2;
	_ =	strace s9  }
0x27: {  	s1 =	sld [smem:$0x3FAB]  }
0x28: {  	s2 =	sld [smem:$0x3FAC]  }
0x29: {  	s4 =	sld [smem:$0x3FAE]  }
0x2a: {  	p0 =	seq.s32 s5, $0x0;
	s5 =	sld [smem:$0x3FAF]  }
0x2b: {  	s6 =	sld [smem:$0x3FB0]  }
0x2c: {  	s7 =	sld [smem:$0x3FB1]  }
0x2d: {  	s3 =	simm.s32 $0x108;
	s8 =	sld [smem:$0x3FB2]  }
0x2e: {  	s3 =	simm.s32 @!p0 $0x1082;
	s9 =	sld [smem:$0x3FB3]  }
0x2f: {  	lr =	sadd.s32 s0, s3;
	s0 =	sld [smem:$0x3FAA]  }
0x30: {  	s3 =	sld [smem:$0x3FAD]  }
0x31: {  	[smem:$0x3FB6] =	sst s10  }
0x32: {  	s10 =	sld [smem:$0x3FB4];
	_ =	sdelay $0x3  }
0x33: {  	p0 =	seq.s32 s10, $0x1;
	s10 =	sld [smem:$0x3FB6];
	_ =	sdelay $0x3  }
0x34: {  	[smem:$0x3FB6] =	sst s10  }
0x35: {  	s10 =	sld [smem:$0x3FB5];
	_ =	sdelay $0x3  }
0x36: {  	p1 =	seq.s32 s10, $0x1;
	s10 =	sld [smem:$0x3FB6];
	_ =	sdelay $0x3  }
0x37: {  	[smem:$0x3FB6] =	sst s10  }
0x38: {  	s10 =	sld [smem:$0x3FB7]  }
0x39: {  	_ = 	snop;
	(pc) =	sbr.ind lr, $3  }
0x3a: {  	_ = 	snop  }
0x3b: {  	_ = 	snop  }
0x3c: {  	p2 =	seq.s32 s10, $0x1;
	s10 =	sld [smem:$0x3FB6]  }
0x3d: {  	_ =	shalt  }
0x3e: {  	_ =	shalt  }
0x3f: {  	_ =	shalt  }
0x40: {  	_ =	shalt  }
0x41: {  	_ =	shalt  }
0x42: {  	_ =	shalt  }
0x43: {  	_ =	shalt  }
0x44: {  	_ =	shalt  }
0x45: {  	_ =	shalt  }
0x46: {  	_ =	shalt  }
0x47: {  	_ =	shalt  }
0x48: {  	_ =	shalt  }
0x49: {  	_ =	shalt  }
0x4a: {  	_ =	shalt  }
0x4b: {  	_ =	shalt  }
0x4c: {  	_ =	shalt  }
0x4d: {  	_ =	shalt  }
0x4e: {  	_ =	shalt  }
0x4f: {  	_ =	shalt  }
0x50: {  	_ =	shalt  }
0x51: {  	_ =	shalt  }
0x52: {  	_ =	shalt  }
0x53: {  	_ =	shalt  }
0x54: {  	_ =	shalt  }
0x55: {  	_ =	shalt  }
0x56: {  	_ =	shalt  }
0x57: {  	_ =	shalt  }
0x58: {  	_ =	shalt  }
0x59: {  	_ =	shalt  }
0x5a: {  	_ =	shalt  }
0x5b: {  	_ =	shalt  }
0x5c: {  	_ =	shalt  }
0x5d: {  	_ =	shalt  }
0x5e: {  	_ =	shalt  }
0x5f: {  	_ =	shalt  }
0x60: {  	_ =	shalt  }
0x61: {  	_ =	shalt  }
0x62: {  	_ =	shalt  }
0x63: {  	_ =	shalt  }
0x64: {  	_ =	shalt  }
0x65: {  	_ =	shalt  }
0x66: {  	_ =	shalt  }
0x67: {  	_ =	shalt  }
0x68: {  	_ =	shalt  }
0x69: {  	_ =	shalt  }
0x6a: {  	_ =	shalt  }
0x6b: {  	_ =	shalt  }
0x6c: {  	_ =	shalt  }
0x6d: {  	_ =	shalt  }
0x6e: {  	_ =	shalt  }
0x6f: {  	_ =	shalt  }
0x70: {  	_ =	shalt  }
0x71: {  	_ =	shalt  }
0x72: {  	_ =	shalt  }
0x73: {  	_ =	shalt  }
0x74: {  	_ =	shalt  }
0x75: {  	_ =	shalt  }
0x76: {  	_ =	shalt  }
0x77: {  	_ =	shalt  }
0x78: {  	_ =	shalt  }
0x79: {  	_ =	shalt  }
0x7a: {  	_ =	shalt  }
0x7b: {  	_ =	shalt  }
0x7c: {  	_ =	shalt  }
0x7d: {  	_ =	shalt  }
0x7e: {  	_ =	shalt  }
0x7f: {  	_ =	shalt  }
0x80: {  	_ =	shalt  }
0x81: {  	_ =	shalt  }
0x82: {  	_ =	shalt  }
0x83: {  	_ =	shalt  }
0x84: {  	_ =	shalt  }
0x85: {  	_ =	shalt  }
0x86: {  	_ =	shalt  }
0x87: {  	_ =	shalt  }
.Lfunc_end0:
.L_simem_size_0:
called_computation_lowered:
.L_overlay_start_0:
0x88: {  	s0 =	sld [smem:$0x3FD9]  }
0x89: {  	s1 =	sld [smem:$0x3FFE];
	_ =	sdelay $0x3  }
0x8a: {  	s0 =	sadd.s32 s1, s0  }
0x8b: {  	[smem:$0x3FC2] =	sst s0  }
0x8c: {  	_ = 	snop  }
0x8d: {  	s0 =	sld [smem:$0x3FD0];
	(tm) =	ssettm $0x1  }
0x8e: {  	s16 =	sld [smem:$0x3FFB];
	_ =	sdelay $0x3  }
0x8f: {  	_ =	strace s16  }
0x90: {  	s1 =	sld [smem:$0x3FFC];
	_ =	sdelay $0x3  }
0x91: {  	_ =	strace s1  }
0x92: {  	s1 =	sld [smem:$0x3FFD];
	_ =	sdelay $0x3  }
0x93: {  	_ =	strace s1  }
0x94: {  	_ =	strace $0x8FFFFFFF  }
0x95: {  	s17 =	sld [smem:$0x3FDB];
	_ =	sdelay $0x1  }
0x96: {  	s2 =	simm.s32 $_scs_section_size  }
0x97: {  	s3 =	simm.s32 $_size__tile_overlayer_lowered;
	s4 =	simm.s32 $_tile_overlayer_lowered  }
0x98: {  	s20 =	simm.s32 $0x1BFF;
	s19 =	sshll.u32 s4, $0x1;
	s1 =	sadd.s32 s2, s17  }
0x99: {  	s5 =	simm.s32 $0x0;
	s18 =	sshll.u32 s3, $0x1;
	s3 =	sadd.s32 s19, s1  }
0x9a: {  	[timem:s5], [sflag:s20] =	dma.local [hbm:s3], s18  }
0x9b: {  	_ =	swait.ge [sflag:s20], s18  }
0x9c: {  	s2 =	ssub.s32 $0x0, s18;
	[sflag:s20] =	ssyncset.done $0x0  }
0x9d: {  	[sflag:s20] =	ssyncadd.s32 s2;
	_ =	sdelay $0x1  }
0x9e: {  	s21 =	simm.s32 $0x1B8B  }
0x9f: {  	_ =	swait.ge [sflag:s21], $0x1  }
0xa0: {  	[sflag:s21] =	ssyncset.done $0x0  }
0xa1: {  	s23 =	simm.s32 $0x1B8E;
	s22 =	sld [smem:$0x3FFE];
	[sflag:s21] =	ssyncadd.s32 $0xFFFFFFFF  }
0xa2: {  	s24 =	simm.s32 $execute0_lowered;
	[smem:$0x3FD2] =	sst s23  }
0xa3: {  	s3 =	sshll.u32 s24, $0x1;
	_ =	strace $0x80000046;
	[dreg:$0x1] =	wrdreg $0xFFFFFFFF  }
0xa4: {  	s25 =	simm.s32 $_size_execute0_lowered;
	s1 =	sadd.s32 s1, s3;
	[dreg:$0x0] =	wrdreg $0x0  }
0xa5: {  	s3 =	sshll.u32 s25, $0x1;
	[dreg:$0x2] =	wrdreg s1  }
0xa6: {  	[dreg:$0x3] =	wrdreg s3  }
0xa7: {  	[dreg:$0x4] =	wrdreg $0xC0  }
0xa8: {  	_ =	task [dreg:s5], $0x5FFFF  }
0xa9: {  	[dreg:$0x1] =	wrdreg $0xFFFFFFFF  }
0xaa: {  	[dreg:$0x0] =	wrdreg $0x60  }
0xab: {  	[dreg:$0x2] =	wrdreg s22  }
0xac: {  	[dreg:$0x3] =	wrdreg s0  }
0xad: {  	[dreg:$0x4] =	wrdreg $0x1E2800  }
0xae: {  	[dreg:$0x5] =	wrdreg $0x142800  }
0xaf: {  	[dreg:$0x6] =	wrdreg $0x9  }
0xb0: {  	_ =	task.clear_ibuf [dreg:s5], $0x7FFFF;
	_ =	strace $0x90000046  }
0xb1: {  	s26 =	simm.s32 $0x9;
	_ =	strace $0x80000048  }
0xb2: {  	_ =	swait.ge [sflag:s26], $0x1  }
0xb3: {  	[sflag:s26] =	ssyncadd.s32 $0xFFFFFFFF  }
0xb4: {  	_ =	strace $0x90000048  }
0xb5: {  	_ =	sfence  }
0xb6: {  	s28 =	sld [smem:$0x0];
	_ =	sdelay $0x1  }
0xb7: {  	s29 =	srdreg.scid  }
0xb8: {  	s30 =	sshll.u32 s29, $0xD;
	s31 =	sshrl.u32 s29, $0x2  }
0xb9: {  	s2 =	sand.u32 $0x4000, s30;
	s1 =	sand.u32 $0x1, s29;
	s0 =	sadd.s32 s31, s28  }
0xba: {  	s1 =	sor.u32 s2, s1;
	s0 =	sshll.u32 s0, $0x11  }
0xbb: {  	s0 =	sor.u32 s0, s1  }
0xbc: {  	s0 =	sadd.s32 $0x8F2B, s0  }
0xbd: {  	[sflag:s0] =	ssyncadd.remote.s32 $0x1  }
0xbe: {  	_ =	sfence.sel $0xFFFF  }
0xbf: {  	[dreg:$0x0] =	wrdreg $0xFFFFFFFF;
	(pc) =	sbr.abs _section_cstart, $3  }
0xc0: {  	[dreg:$0x1] =	wrdreg $0xFFFFFFFF  }
0xc1: {  	_ =	task.clear_ibuf [dreg:s5], $0x2FFFF;
	_ =	strace $0x9FFFFFFF  }
0xc2: {  	(tm) =	ssettm $0x7FFFFFFF  }
0xc3: {  	_ =	shalt  }
tec
execute0_lowered:
.L_overlay_start_1:
0x0: {  	(tag) =	ssettag $0x1  }
0x1: {  	s3 =	rddreg [dreg:$0x0]  }
0x2: {  	s1 =	rddreg [dreg:$0x1]  }
0x3: {  	s0 =	rddreg [dreg:$0x2];
	s9 =	stileid.u32  }
0x4: {  	s5 =	rddreg [dreg:$0x3];
	s2 =	simm.s32 $0x0;
	s4 =	smul.u32 $0x9D0, s9  }
0x5: {  	[smem:$0x7FF] =	sst s2  }
0x6: {  	s7 =	simm.s32 $0x7;
	_ =	strace $0x80000047;
	s1 =	sadd.s32 s1, s4  }
0x7: {  	[tilespmem:s2], [sflag:$0x7] =	stream.linear.gather [hbm4b:s1+s2], $0x4E80, $0x38;
	[tilespmem:$0x1E500] =	vst v63  }
0x8: {  	_ =	swait.ge [sflag:s7], $0x4E80  }
0x9: {  	s29 =	sadd.s32 s4, s3;
	[sflag:s7] =	ssyncset.done $0x0  }
0xa: {  	s30 =	simm.s32 $0x4E80;
	s1 =	sadd.s32 $0x14A00, s29;
	[sflag:s7] =	ssyncadd.s32 $0xFFFFB180  }
0xb: {  	[tilespmem:s30], [sflag:$0x7] =	stream.linear.gather [hbm4b:s1+s2], $0x4E80, $0x38;
	[tilespmem:$0x1E500] =	vst v63  }
0xc: {  	_ =	swait.ge [sflag:s7], $0x4E80  }
0xd: {  	[sflag:s7] =	ssyncset.done $0x0  }
0xe: {  	v0 =	vimm.f32 $1.000000000e+00;
	[sflag:s7] =	ssyncadd.s32 $0xFFFFB180  }
0xf: {  	[tilespmem:$0x14200] =	vst v0  }
0x10: {  	[tilespmem:$0x14210] =	vst v0  }
0x11: {  	[tilespmem:$0x14220] =	vst v0  }
0x12: {  	[tilespmem:$0x14230] =	vst v0  }
0x13: {  	[tilespmem:$0x14240] =	vst v0  }
0x14: {  	[tilespmem:$0x14250] =	vst v0  }
0x15: {  	[tilespmem:$0x14260] =	vst v0  }
0x16: {  	[tilespmem:$0x14270] =	vst v0;
	v0 =	vimm.f32 $0.0e+00  }
0x17: {  	[tilespmem:$0x13F80] =	vst v0  }
0x18: {  	[tilespmem:$0x13F90] =	vst v0  }
0x19: {  	[tilespmem:$0x13FA0] =	vst v0  }
0x1a: {  	[tilespmem:$0x13FB0] =	vst v0  }
0x1b: {  	[tilespmem:$0x13FC0] =	vst v0  }
0x1c: {  	[tilespmem:$0x13FD0] =	vst v0  }
0x1d: {  	[tilespmem:$0x13FE0] =	vst v0  }
0x1e: {  	[tilespmem:$0x13FF0] =	vst v0  }
0x1f: {  	[tilespmem:$0x14000] =	vst v0  }
0x20: {  	[tilespmem:$0x14010] =	vst v0  }
0x21: {  	[tilespmem:$0x14020] =	vst v0  }
0x22: {  	[tilespmem:$0x14030] =	vst v0  }
0x23: {  	[tilespmem:$0x14040] =	vst v0  }
0x24: {  	[tilespmem:$0x14050] =	vst v0  }
0x25: {  	[tilespmem:$0x14060] =	vst v0  }
0x26: {  	[tilespmem:$0x14070] =	vst v0  }
0x27: {  	[tilespmem:$0x14080] =	vst v0  }
0x28: {  	[tilespmem:$0x14090] =	vst v0  }
0x29: {  	[tilespmem:$0x140A0] =	vst v0  }
0x2a: {  	[tilespmem:$0x140B0] =	vst v0  }
0x2b: {  	[tilespmem:$0x140C0] =	vst v0  }
0x2c: {  	[tilespmem:$0x140D0] =	vst v0  }
0x2d: {  	[tilespmem:$0x140E0] =	vst v0  }
0x2e: {  	[tilespmem:$0x140F0] =	vst v0  }
0x2f: {  	[tilespmem:$0x14100] =	vst v0  }
0x30: {  	[tilespmem:$0x14110] =	vst v0  }
0x31: {  	[tilespmem:$0x14120] =	vst v0  }
0x32: {  	[tilespmem:$0x14130] =	vst v0  }
0x33: {  	[tilespmem:$0x14140] =	vst v0  }
0x34: {  	[tilespmem:$0x14150] =	vst v0  }
0x35: {  	[tilespmem:$0x14160] =	vst v0  }
0x36: {  	[tilespmem:$0x14170] =	vst v0  }
0x37: {  	[tilespmem:$0x14180] =	vst v0  }
0x38: {  	[tilespmem:$0x14190] =	vst v0  }
0x39: {  	[tilespmem:$0x141A0] =	vst v0  }
0x3a: {  	[tilespmem:$0x141B0] =	vst v0  }
0x3b: {  	[tilespmem:$0x141C0] =	vst v0  }
0x3c: {  	s2 =	smul.u32 $0x280, s9;
	[tilespmem:$0x141D0] =	vst v0  }
0x3d: {  	[tilespmem:$0x141E0] =	vst v0  }
0x3e: {  	s31 =	simm.s32 $0x13F80;
	s1 =	sadd.s32 s2, s0;
	[tilespmem:$0x141F0] =	vst v0  }
0x3f: {  	[spmem:s1] =	stream.linear.scatter [tilespmem:s31], [sflag:$0x7], $0x280, $0x38;
	[tilespmem:$0x1E500] =	vst v63  }
0x40: {  	s6 =	sadd.s32 $0xA00, s3;
	_ =	swait.ge [sflag:s7], $0x280  }
0x41: {  	s10 =	sadd.s32 $0x32800, s3;
	s4 =	sadd.s32 $0x1E800, s3;
	[sflag:s7] =	ssyncset.done $0x0  }
0x42: {  	s3 =	simm.s32 $0x0;
	[sflag:s7] =	ssyncadd.s32 $0xFFFFFD80;
	s7 =	simm.s32 $0x100  }
.LBB2_1:
0x43: {  	p0 =	sne.s32 s7, $0x7F00;
	[tilespmem:s3+$0x11D30] =	vst v0;
	s8 =	smov.u32 s7;
	s7 =	sadd.s32 $0x100, s7  }
.Ltmp0:
0x44: {  	[tilespmem:s3+$0x11D20] =	vst v0;
	(pc) =	sbr.rel @p0 .LBB2_1-.Ltmp0, $3  }
0x45: {  	[tilespmem:s3+$0x11D00] =	vst v0  }
0x46: {  	[tilespmem:s3+$0x11D10] =	vst v0;
	_ =	sdelay $0x1  }
0x47: {  	s3 =	sshra.s32 s8, $0x2  }
0x48: {  	[tilespmem:s3+$0x11D30] =	vst v0;
	s7 =	smul.u32 $0x28000, s9  }
0x49: {  	[tilespmem:s3+$0x11D20] =	vst v0  }
0x4a: {  	[dreg:$0x5] =	wrdreg s10;
	[tilespmem:s3+$0x11D00] =	vst v0;
	s7 =	sshrl.u32 s7, $0x2  }
0x4b: {  	[tilespmem:s3+$0x11D10] =	vst v0;
	s8 =	simm.s32 $0x11D00;
	s3 =	simm.s32 $0x7;
	s7 =	sadd.s32 s7, s5  }
0x4c: {  	[spmem:s7] =	stream.linear.scatter [tilespmem:s8], [sflag:$0x7], $0x2000, $0x38;
	[tilespmem:$0x1E500] =	vst v63  }
0x4d: {  	_ =	swait.ge [sflag:s3], $0x2000  }
0x4e: {  	[sflag:s3] =	ssyncset.done $0x0  }
0x4f: {  	s28 =	sadd.s32 $0x2000, s7;
	[sflag:s3] =	ssyncadd.s32 $0xFFFFE000  }
0x50: {  	[spmem:s28] =	stream.linear.scatter [tilespmem:s8], [sflag:$0x7], $0x2000, $0x38;
	[tilespmem:$0x1E500] =	vst v63  }
0x51: {  	_ =	swait.ge [sflag:s3], $0x2000  }
0x52: {  	[sflag:s3] =	ssyncset.done $0x0  }
0x53: {  	s29 =	sadd.s32 $0x4000, s7;
	[sflag:s3] =	ssyncadd.s32 $0xFFFFE000  }
0x54: {  	[spmem:s29] =	stream.linear.scatter [tilespmem:s8], [sflag:$0x7], $0x2000, $0x38;
	[tilespmem:$0x1E500] =	vst v63  }
0x55: {  	_ =	swait.ge [sflag:s3], $0x2000  }
0x56: {  	[sflag:s3] =	ssyncset.done $0x0  }
0x57: {  	s30 =	sadd.s32 $0x6000, s7;
	[sflag:s3] =	ssyncadd.s32 $0xFFFFE000  }
0x58: {  	[spmem:s30] =	stream.linear.scatter [tilespmem:s8], [sflag:$0x7], $0x2000, $0x38;
	[tilespmem:$0x1E500] =	vst v63  }
0x59: {  	_ =	swait.ge [sflag:s3], $0x2000  }
0x5a: {  	[sflag:s3] =	ssyncset.done $0x0  }
0x5b: {  	s7 =	sadd.s32 $0x8000, s7;
	[sflag:s3] =	ssyncadd.s32 $0xFFFFE000  }
0x5c: {  	[spmem:s7] =	stream.linear.scatter [tilespmem:s8], [sflag:$0x7], $0x2000, $0x38;
	[tilespmem:$0x1E500] =	vst v63  }
0x5d: {  	_ =	swait.ge [sflag:s3], $0x2000  }
0x5e: {  	[sflag:s3] =	ssyncset.done $0x0  }
0x5f: {  	s31 =	simm.s32 $0x4E80;
	[sflag:s3] =	ssyncadd.s32 $0xFFFFE000  }
0x60: {  	s7 =	simm.s32 $0x80;
	s8 =	simm.s32 $0x14200;
	[bflag:$0x0] =	sbarrier.arrive $0xFFFF  }
0x61: {  	[spmem:s0] =	stream.indirect.scatter.add.f32 [tilespmem:s8], [sflag:$0x7], $0x1, s31, s7, $0xb8;
	[tilespmem:$0x1E500] =	vst v63  }
0x62: {  	s9 =	simm.s32 $0x200;
	_ =	swait.ge [sflag:s3], $0x80  }
.LBB2_3:
0x63: {  	s10 =	sshra.s32 s9, $0x2;
	[sflag:s3] =	ssyncset.done $0x0;
	p0 =	sne.s32 s9, $0x13800  }
.Ltmp1:
0x64: {  	s10 =	sadd.s32 $0x4E80, s10;
	[sflag:s3] =	ssyncadd.s32 $0xFFFFFF80;
	(pc) =	sbr.rel @p0 .LBB2_3-.Ltmp1, $3  }
0x65: {  	[spmem:s0] =	stream.indirect.scatter.add.f32 [tilespmem:s8], [sflag:$0x7], $0x1, s10, s7, $0xb8;
	[tilespmem:$0x1E500] =	vst v63  }
0x66: {  	s9 =	sadd.s32 $0x200, s9;
	_ =	sdelay $0x1  }
0x67: {  	_ =	swait.ge [sflag:s3], $0x80  }
0x68: {  	[sflag:s3] =	ssyncset.done $0x0  }
0x69: {  	[sflag:s3] =	ssyncadd.s32 $0xFFFFFF80  }
0x6a: {  	s0 =	simm.s32 $0x13D00;
	s31 =	simm.s32 $0x7;
	[bflag:$0x0] =	sbarrier.arrive $0xFFFF  }
0x6b: {  	[tilespmem:s0], [sflag:$0x7] =	stream.linear.gather [spmem:s1], $0x280, $0x38;
	[tilespmem:$0x1E500] =	vst v63  }
0x6c: {  	_ =	swait.ge [sflag:s31], $0x280  }
0x6d: {  	[sflag:s31] =	ssyncset.done $0x0  }
0x6e: {  	s16 =	simm.s32 $0x0;
	[sflag:s31] =	ssyncadd.s32 $0xFFFFFD80  }
0x6f: {  	v0 =	vld [tilespmem:s16+$0x13D00];
	_ =	sdelay $0x4  }
0x70: {  	v1 =	vadd.f32 $1.000000000e+00, v0;
	_ =	sdelay $0x1  }
0x71: {  	v0 =	vmul.f32 $5.000000000e-01, v1  }
0x72: {  	v2 =	vmul.f32 $6.250000000e-02, v1;
	vm0 =	vge.f32 v1, $4.000000000e+00  }
0x73: {  	v3 =	vmul.f32 $3.906250000e-03, v1;
	vm1 =	vge.f32 v1, $2.560000000e+02;
	v0 =	vsel vm0, v0, v1  }
0x74: {  	vm7 =	vge.f32 v1, $6.553600000e+04;
	v0 =	vsel vm1, v2, v0  }
0x75: {  	v2 =	vsel vm7, v3, v0  }
0x76: {  	(erf) = vrcp.f32 v2  }
0x77: {  	s19 =	simm.s32 $0x10;
	[tilespmem:s16+$0x13D00] =	vst v1  }
0x78: {  	v0 =	vld [tilespmem:s19+$0x13D00];
	_ =	sdelay $0x4  }
0x79: {  	v0 =	vadd.f32 $1.000000000e+00, v0;
	_ =	sdelay $0x1  }
0x7a: {  	v4 =	vmul.f32 $5.000000000e-01, v0;
	v3 =	vpop (erf)  }
0x7b: {  	v5 =	vmul.f32 $6.250000000e-02, v0;
	vm8 =	vge.f32 v0, $4.000000000e+00;
	v3 =	vmul.f32 v3, v1  }
0x7c: {  	v6 =	vmul.f32 $3.906250000e-03, v0;
	vm9 =	vge.f32 v0, $2.560000000e+02;
	v4 =	vsel vm8, v4, v0  }
0x7d: {  	vm10 =	vge.f32 v0, $6.553600000e+04;
	v4 =	vsel vm9, v5, v4;
	v2 =	vadd.f32 v3, v2  }
0x7e: {  	v3 =	vsel vm10, v6, v4  }
0x7f: {  	(erf) = vrcp.f32 v3;
	v2 =	vmul.f32 $5.000000000e-01, v2  }
0x80: {  	s18 =	simm.s32 $0x20;
	[tilespmem:s19+$0x13D00] =	vst v0  }
0x81: {  	v4 =	vld [tilespmem:s18+$0x13D00];
	(erf) = vrcp.f32 v2;
	_ =	sdelay $0x4  }
0x82: {  	v10 =	vadd.f32 $1.000000000e+00, v4;
	_ =	sdelay $0x1  }
0x83: {  	v5 =	vmul.f32 $5.000000000e-01, v10;
	v6 =	vmul.f32 $6.250000000e-02, v10;
	v4 =	vpop (erf)  }
0x84: {  	vm11 =	vge.f32 v10, $4.000000000e+00;
	vm12 =	vge.f32 v10, $6.553600000e+04;
	v4 =	vmul.f32 v4, v0  }
0x85: {  	v8 =	vmul.f32 $3.906250000e-03, v10;
	vm2 =	vge.f32 v10, $2.560000000e+02;
	v5 =	vsel vm11, v5, v10;
	v7 =	vpop (erf)  }
0x86: {  	v5 =	vsel vm2, v6, v5;
	v3 =	vadd.f32 v4, v3;
	v4 =	vmul.f32 v7, v1  }
0x87: {  	v5 =	vsel vm12, v8, v5  }
0x88: {  	(erf) = vrcp.f32 v5;
	v2 =	vadd.f32 v4, v2  }
0x89: {  	s17 =	simm.s32 $0x30;
	[tilespmem:s18+$0x13D00] =	vst v10;
	v3 =	vmul.f32 $5.000000000e-01, v3  }
0x8a: {  	v4 =	vld [tilespmem:s17+$0x13D00];
	v2 =	vmul.f32 $5.000000000e-01, v2  }
0x8b: {  	(erf) = vrcp.f32 v3  }
0x8c: {  	(erf) = vrcp.f32 v2;
	_ =	sdelay $0x2  }
0x8d: {  	v9 =	vadd.f32 $1.000000000e+00, v4;
	_ =	sdelay $0x1  }
0x8e: {  	v4 =	vpop (erf);
	v6 =	vmul.f32 $5.000000000e-01, v9;
	v7 =	vmul.f32 $6.250000000e-02, v9  }
0x8f: {  	v4 =	vmul.f32 v4, v10;
	vm13 =	vge.f32 v9, $4.000000000e+00  }
0x90: {  	v11 =	vmul.f32 $3.906250000e-03, v9;
	vm14 =	vge.f32 v9, $2.560000000e+02;
	v6 =	vsel vm13, v6, v9  }
0x91: {  	vm15 =	vge.f32 v9, $6.553600000e+04;
	v8 =	vpop (erf);
	v6 =	vsel vm14, v7, v6  }
0x92: {  	v4 =	vadd.f32 v4, v5;
	v8 =	vmul.f32 v8, v0;
	v5 =	vsel vm15, v11, v6;
	v7 =	vpop (erf)  }
0x93: {  	(erf) = vrcp.f32 v5;
	v6 =	vmul.f32 v7, v1  }
0x94: {  	v4 =	vmul.f32 $5.000000000e-01, v4;
	v3 =	vadd.f32 v8, v3  }
0x95: {  	s15 =	simm.s32 $0x40;
	[tilespmem:s17+$0x13D00] =	vst v9;
	v2 =	vadd.f32 v6, v2  }
0x96: {  	(erf) = vrcp.f32 v4;
	v3 =	vmul.f32 $5.000000000e-01, v3;
	v6 =	vld [tilespmem:s15+$0x13D00]  }
0x97: {  	v2 =	vmul.f32 $5.000000000e-01, v2  }
0x98: {  	(erf) = vrcp.f32 v3  }
0x99: {  	(erf) = vrcp.f32 v2;
	_ =	sdelay $0x1  }
0x9a: {  	v7 =	vadd.f32 $1.000000000e+00, v6  }
0x9b: {  	v6 =	vpop (erf)  }
0x9c: {  	v6 =	vmul.f32 v6, v9;
	v8 =	vmul.f32 $5.000000000e-01, v7  }
0x9d: {  	v11 =	vmul.f32 $6.250000000e-02, v7;
	vm4 =	vge.f32 v7, $4.000000000e+00;
	vm5 =	vge.f32 v7, $6.553600000e+04  }
0x9e: {  	v12 =	vpop (erf);
	v13 =	vmul.f32 $3.906250000e-03, v7;
	vm6 =	vge.f32 v7, $2.560000000e+02;
	v8 =	vsel vm4, v8, v7  }
0x9f: {  	v5 =	vadd.f32 v6, v5;
	v6 =	vmul.f32 v12, v10;
	v8 =	vsel vm6, v11, v8  }
0xa0: {  	v14 =	vpop (erf);
	v8 =	vsel vm5, v13, v8  }
0xa1: {  	v5 =	vmul.f32 $5.000000000e-01, v5;
	v4 =	vadd.f32 v6, v4;
	v12 =	vpop (erf);
	(erf) = vrcp.f32 v8  }
0xa2: {  	v11 =	vmul.f32 v14, v0;
	v6 =	vmul.f32 v12, v1  }
0xa3: {  	s14 =	simm.s32 $0x50;
	[tilespmem:s15+$0x13D00] =	vst v7;
	v4 =	vmul.f32 $5.000000000e-01, v4;
	(erf) = vrcp.f32 v5  }
0xa4: {  	v3 =	vadd.f32 v11, v3;
	v2 =	vadd.f32 v6, v2;
	v6 =	vld [tilespmem:s14+$0x13D00]  }
0xa5: {  	(erf) = vrcp.f32 v4  }
0xa6: {  	v3 =	vmul.f32 $5.000000000e-01, v3;
	_ =	sdelay $0x1  }
0xa7: {  	(erf) = vrcp.f32 v3;
	v2 =	vmul.f32 $5.000000000e-01, v2  }
0xa8: {  	v6 =	vadd.f32 $1.000000000e+00, v6  }
0xa9: {  	(erf) = vrcp.f32 v2;
	v11 =	vpop (erf)  }
0xaa: {  	v11 =	vmul.f32 v11, v7;
	v12 =	vmul.f32 $5.000000000e-01, v6  }
0xab: {  	v13 =	vpop (erf);
	v14 =	vmul.f32 $6.250000000e-02, v6;
	vm7 =	vge.f32 v6, $4.000000000e+00;
	v15 =	vmul.f32 $3.906250000e-03, v6  }
0xac: {  	vm8 =	vge.f32 v6, $2.560000000e+02;
	v13 =	vmul.f32 v13, v9;
	v12 =	vsel vm7, v12, v6  }
0xad: {  	vm9 =	vge.f32 v6, $6.553600000e+04;
	v16 =	vpop (erf);
	v8 =	vadd.f32 v11, v8;
	v11 =	vsel vm8, v14, v12  }
0xae: {  	v12 =	vmul.f32 v16, v10;
	v5 =	vadd.f32 v13, v5;
	v11 =	vsel vm9, v15, v11  }
0xaf: {  	v8 =	vmul.f32 $5.000000000e-01, v8;
	(erf) = vrcp.f32 v11  }
0xb0: {  	s13 =	simm.s32 $0x60;
	[tilespmem:s14+$0x13D00] =	vst v6;
	v13 =	vpop (erf);
	v15 =	vmul.f32 $5.000000000e-01, v5  }
0xb1: {  	v4 =	vadd.f32 v12, v4;
	v12 =	vld [tilespmem:s13+$0x13D00];
	v13 =	vmul.f32 v13, v0;
	(erf) = vrcp.f32 v8  }
0xb2: {  	v14 =	vpop (erf);
	(erf) = vrcp.f32 v15  }
0xb3: {  	v4 =	vmul.f32 $5.000000000e-01, v4;
	v3 =	vadd.f32 v13, v3  }
0xb4: {  	v5 =	vmul.f32 v14, v1  }
0xb5: {  	(erf) = vrcp.f32 v4;
	v3 =	vmul.f32 $5.000000000e-01, v3  }
0xb6: {  	v2 =	vadd.f32 v5, v2;
	v5 =	vadd.f32 $1.000000000e+00, v12  }
0xb7: {  	(erf) = vrcp.f32 v3  }
0xb8: {  	v2 =	vmul.f32 $5.000000000e-01, v2;
	v13 =	vmul.f32 $5.000000000e-01, v5;
	v12 =	vpop (erf)  }
0xb9: {  	v14 =	vmul.f32 $6.250000000e-02, v5;
	vm10 =	vge.f32 v5, $4.000000000e+00;
	v12 =	vmul.f32 v12, v6  }
0xba: {  	v17 =	vmul.f32 $3.906250000e-03, v5;
	vm11 =	vge.f32 v5, $2.560000000e+02;
	(erf) = vrcp.f32 v2;
	v16 =	vpop (erf)  }
0xbb: {  	vm12 =	vge.f32 v5, $6.553600000e+04;
	v13 =	vsel vm10, v13, v5;
	v18 =	vpop (erf);
	v11 =	vadd.f32 v12, v11  }
0xbc: {  	v12 =	vsel vm11, v14, v13;
	v13 =	vmul.f32 v16, v7;
	v14 =	vmul.f32 v18, v9  }
0xbd: {  	s11 =	simm.s32 $0x70;
	[tilespmem:s13+$0x13D00] =	vst v5;
	v12 =	vsel vm12, v17, v12  }
0xbe: {  	v16 =	vpop (erf);
	v11 =	vmul.f32 $5.000000000e-01, v11;
	v8 =	vadd.f32 v13, v8;
	v14 =	vadd.f32 v14, v15;
	v15 =	vld [tilespmem:s11+$0x13D00]  }
0xbf: {  	(erf) = vrcp.f32 v12;
	v13 =	vmul.f32 v16, v10  }
0xc0: {  	v16 =	vpop (erf);
	(erf) = vrcp.f32 v11;
	v8 =	vmul.f32 $5.000000000e-01, v8  }
0xc1: {  	v4 =	vadd.f32 v13, v4;
	v16 =	vmul.f32 v16, v0  }
0xc2: {  	v13 =	vmul.f32 $5.000000000e-01, v14;
	(erf) = vrcp.f32 v8  }
0xc3: {  	v17 =	vpop (erf);
	v3 =	vadd.f32 v16, v3;
	v16 =	vmul.f32 $5.000000000e-01, v4;
	v4 =	vadd.f32 $1.000000000e+00, v15  }
0xc4: {  	v14 =	vmul.f32 v17, v1;
	(erf) = vrcp.f32 v13  }
0xc5: {  	v3 =	vmul.f32 $5.000000000e-01, v3;
	v15 =	vmul.f32 $5.000000000e-01, v4  }
0xc6: {  	(erf) = vrcp.f32 v16;
	v17 =	vmul.f32 $6.250000000e-02, v4;
	vm13 =	vge.f32 v4, $4.000000000e+00  }
0xc7: {  	vm14 =	vge.f32 v4, $2.560000000e+02;
	(erf) = vrcp.f32 v3;
	v15 =	vsel vm13, v15, v4  }
0xc8: {  	v2 =	vadd.f32 v14, v2;
	v14 =	vpop (erf);
	v15 =	vsel vm14, v17, v15  }
0xc9: {  	v19 =	vmul.f32 $3.906250000e-03, v4;
	v14 =	vmul.f32 v14, v5;
	v18 =	vpop (erf)  }
0xca: {  	vm15 =	vge.f32 v4, $6.553600000e+04;
	v2 =	vmul.f32 $5.000000000e-01, v2;
	v18 =	vmul.f32 v18, v6  }
0xcb: {  	v12 =	vadd.f32 v14, v12;
	v14 =	vsel vm15, v19, v15;
	v15 =	vpop (erf)  }
0xcc: {  	(erf) = vrcp.f32 v2;
	v11 =	vadd.f32 v18, v11;
	v15 =	vmul.f32 v15, v7  }
0xcd: {  	(erf) = vrcp.f32 v14;
	v17 =	vpop (erf);
	v12 =	vmul.f32 $5.000000000e-01, v12  }
0xce: {  	v17 =	vmul.f32 v17, v9;
	v11 =	vmul.f32 $5.000000000e-01, v11  }
0xcf: {  	s12 =	simm.s32 $0x80;
	[tilespmem:s11+$0x13D00] =	vst v4;
	v18 =	vpop (erf);
	v8 =	vadd.f32 v15, v8;
	(erf) = vrcp.f32 v12  }
0xd0: {  	v13 =	vadd.f32 v17, v13;
	v17 =	vmul.f32 v18, v10;
	v18 =	vld [tilespmem:s12+$0x13D00];
	v15 =	vpop (erf);
	(erf) = vrcp.f32 v11  }
0xd1: {  	v8 =	vmul.f32 $5.000000000e-01, v8;
	v15 =	vmul.f32 v15, v0;
	_ =	sdelay $0x1  }
0xd2: {  	(erf) = vrcp.f32 v8;
	v3 =	vadd.f32 v15, v3  }
0xd3: {  	v16 =	vadd.f32 v17, v16  }
0xd4: {  	v13 =	vmul.f32 $5.000000000e-01, v13;
	v17 =	vmul.f32 $5.000000000e-01, v3;
	v3 =	vadd.f32 $1.000000000e+00, v18  }
0xd5: {  	v16 =	vmul.f32 $5.000000000e-01, v16  }
0xd6: {  	v15 =	vpop (erf);
	(erf) = vrcp.f32 v13;
	v20 =	vmul.f32 $5.000000000e-01, v3  }
0xd7: {  	v18 =	vpop (erf);
	(erf) = vrcp.f32 v16;
	vm4 =	vge.f32 v3, $4.000000000e+00  }
0xd8: {  	v18 =	vmul.f32 v18, v4;
	v19 =	vmul.f32 $6.250000000e-02, v3;
	v21 =	vpop (erf);
	v20 =	vsel vm4, v20, v3  }
0xd9: {  	v22 =	vmul.f32 $3.906250000e-03, v3;
	vm6 =	vge.f32 v3, $2.560000000e+02;
	v23 =	vpop (erf)  }
0xda: {  	v14 =	vadd.f32 v18, v14;
	v18 =	vsel vm6, v19, v20;
	v19 =	vmul.f32 v23, v6  }
0xdb: {  	vm5 =	vge.f32 v3, $6.553600000e+04;
	(erf) = vrcp.f32 v17;
	v21 =	vmul.f32 v21, v5;
	v20 =	vpop (erf)  }
0xdc: {  	v18 =	vsel vm5, v22, v18;
	v11 =	vadd.f32 v19, v11;
	v19 =	vmul.f32 v20, v7  }
0xdd: {  	v12 =	vadd.f32 v21, v12;
	v14 =	vmul.f32 $5.000000000e-01, v14;
	(erf) = vrcp.f32 v18  }
0xde: {  	v15 =	vmul.f32 v15, v1  }
0xdf: {  	v12 =	vmul.f32 $5.000000000e-01, v12;
	(erf) = vrcp.f32 v14;
	v20 =	vpop (erf)  }
0xe0: {  	s7 =	simm.s32 $0x90;
	[tilespmem:s12+$0x13D00] =	vst v3;
	v11 =	vmul.f32 $5.000000000e-01, v11;
	v8 =	vadd.f32 v19, v8;
	v20 =	vmul.f32 v20, v9;
	v19 =	vpop (erf)  }
0xe1: {  	v2 =	vadd.f32 v15, v2;
	v15 =	vld [tilespmem:s7+$0x13D00];
	(erf) = vrcp.f32 v12;
	v19 =	vmul.f32 v19, v10  }
0xe2: {  	(erf) = vrcp.f32 v11;
	v8 =	vmul.f32 $5.000000000e-01, v8;
	v13 =	vadd.f32 v20, v13  }
0xe3: {  	v20 =	vmul.f32 $5.000000000e-01, v2;
	v2 =	vadd.f32 v19, v16  }
0xe4: {  	(erf) = vrcp.f32 v8;
	v13 =	vmul.f32 $5.000000000e-01, v13  }
0xe5: {  	v16 =	vpop (erf);
	(erf) = vrcp.f32 v20;
	v19 =	vmul.f32 $5.000000000e-01, v2  }
0xe6: {  	v16 =	vmul.f32 v16, v0;
	(erf) = vrcp.f32 v13;
	v2 =	vadd.f32 $1.000000000e+00, v15;
	v15 =	vpop (erf)  }
0xe7: {  	v15 =	vmul.f32 v15, v3;
	(erf) = vrcp.f32 v19  }
0xe8: {  	v22 =	vmul.f32 $6.250000000e-02, v2;
	v23 =	vmul.f32 $5.000000000e-01, v2  }
0xe9: {  	v21 =	vpop (erf);
	vm7 =	vge.f32 v2, $4.000000000e+00;
	v24 =	vmul.f32 $3.906250000e-03, v2;
	vm9 =	vge.f32 v2, $2.560000000e+02  }
0xea: {  	v25 =	vpop (erf);
	v15 =	vadd.f32 v15, v18;
	v18 =	vmul.f32 v21, v4;
	v23 =	vsel vm7, v23, v2  }
0xeb: {  	vm8 =	vge.f32 v2, $6.553600000e+04;
	v21 =	vpop (erf);
	v22 =	vsel vm9, v22, v23;
	v23 =	vmul.f32 v25, v5  }
0xec: {  	v21 =	vmul.f32 v21, v6;
	v14 =	vadd.f32 v18, v14;
	v22 =	vsel vm8, v24, v22  }
0xed: {  	s8 =	simm.s32 $0xA0;
	[tilespmem:s7+$0x13D00] =	vst v2;
	v15 =	vmul.f32 $5.000000000e-01, v15;
	(erf) = vrcp.f32 v22;
	v12 =	vadd.f32 v23, v12  }
0xee: {  	v24 =	vld [tilespmem:s8+$0x13D00];
	v14 =	vmul.f32 $5.000000000e-01, v14  }
0xef: {  	v11 =	vadd.f32 v21, v11;
	v18 =	vpop (erf);
	(erf) = vrcp.f32 v15;
	v23 =	vmul.f32 $5.000000000e-01, v12  }
0xf0: {  	v21 =	vpop (erf);
	v12 =	vadd.f32 v16, v17;
	(erf) = vrcp.f32 v14;
	v17 =	vmul.f32 v18, v7  }
0xf1: {  	v11 =	vmul.f32 $5.000000000e-01, v11;
	v16 =	vpop (erf);
	(erf) = vrcp.f32 v23  }
0xf2: {  	v16 =	vmul.f32 v16, v9;
	v18 =	vpop (erf);
	v25 =	vmul.f32 $5.000000000e-01, v12;
	v8 =	vadd.f32 v17, v8  }
0xf3: {  	v17 =	vmul.f32 v21, v1;
	v1 =	vadd.f32 $1.000000000e+00, v24;
	v12 =	vmul.f32 v18, v10  }
0xf4: {  	(erf) = vrcp.f32 v11;
	v13 =	vadd.f32 v16, v13;
	v16 =	vmul.f32 $5.000000000e-01, v8  }
0xf5: {  	(erf) = vrcp.f32 v25;
	v21 =	vmul.f32 $5.000000000e-01, v1;
	v8 =	vadd.f32 v12, v19  }
0xf6: {  	vm10 =	vge.f32 v1, $4.000000000e+00;
	v24 =	vmul.f32 $3.906250000e-03, v1;
	v18 =	vpop (erf);
	(erf) = vrcp.f32 v16  }
0xf7: {  	vm11 =	vge.f32 v1, $6.553600000e+04;
	v12 =	vmul.f32 $5.000000000e-01, v8;
	v8 =	vmul.f32 v18, v2  }
0xf8: {  	vm12 =	vge.f32 v1, $2.560000000e+02;
	v13 =	vmul.f32 $5.000000000e-01, v13;
	v19 =	vmul.f32 $6.250000000e-02, v1;
	v18 =	vpop (erf)  }
0xf9: {  	v21 =	vsel vm10, v21, v1;
	v26 =	vpop (erf);
	v18 =	vmul.f32 v18, v3;
	v8 =	vadd.f32 v8, v22  }
0xfa: {  	v19 =	vsel vm12, v19, v21;
	(erf) = vrcp.f32 v13;
	v21 =	vmul.f32 v26, v4;
	v22 =	vpop (erf)  }
0xfb: {  	v24 =	vsel vm11, v24, v19;
	v22 =	vmul.f32 v22, v5;
	v26 =	vmul.f32 $5.000000000e-01, v8  }
0xfc: {  	(erf) = vrcp.f32 v24;
	v8 =	vadd.f32 v18, v15;
	v14 =	vadd.f32 v21, v14  }
0xfd: {  	v18 =	vpop (erf);
	v15 =	vadd.f32 v22, v23;
	(erf) = vrcp.f32 v26  }
0xfe: {  	s9 =	simm.s32 $0xB0;
	[tilespmem:s8+$0x13D00] =	vst v1;
	v21 =	vmul.f32 $5.000000000e-01, v8;
	v22 =	vmul.f32 $5.000000000e-01, v14  }
0xff: {  	v19 =	vpop (erf);
	v8 =	vmul.f32 $5.000000000e-01, v15;
	v15 =	vmul.f32 v18, v6;
	v18 =	vld [tilespmem:s9+$0x13D00]  }
0x100: {  	v14 =	vpop (erf);
	(erf) = vrcp.f32 v21  }
0x101: {  	v17 =	vadd.f32 v17, v20;
	(erf) = vrcp.f32 v22;
	v14 =	vmul.f32 v14, v7  }
0x102: {  	v27 =	vmul.f32 v19, v0  }
0x103: {  	v19 =	vmul.f32 $5.000000000e-01, v17;
	v23 =	vpop (erf);
	v11 =	vadd.f32 v15, v11;
	v14 =	vadd.f32 v14, v16  }
0x104: {  	(erf) = vrcp.f32 v8;
	v23 =	vmul.f32 v23, v9;
	v0 =	vadd.f32 $1.000000000e+00, v18  }
0x105: {  	(erf) = vrcp.f32 v12;
	v15 =	vmul.f32 $5.000000000e-01, v11  }
0x106: {  	v11 =	vadd.f32 v23, v13;
	v13 =	vmul.f32 $5.000000000e-01, v14;
	v18 =	vmul.f32 $6.250000000e-02, v0  }
0x107: {  	(erf) = vrcp.f32 v15;
	v14 =	vpop (erf);
	v16 =	vmul.f32 $5.000000000e-01, v0  }
0x108: {  	vm13 =	vge.f32 v0, $4.000000000e+00;
	v14 =	vmul.f32 v14, v1;
	v17 =	vpop (erf);
	(erf) = vrcp.f32 v13  }
0x109: {  	vm14 =	vge.f32 v0, $2.560000000e+02;
	v23 =	vmul.f32 $3.906250000e-03, v0;
	v20 =	vpop (erf);
	v16 =	vsel vm13, v16, v0  }
0x10a: {  	v17 =	vmul.f32 v17, v2;
	v14 =	vadd.f32 v14, v24;
	v16 =	vsel vm14, v18, v16;
	v18 =	vpop (erf)  }
0x10b: {  	vm15 =	vge.f32 v0, $6.553600000e+04;
	v20 =	vmul.f32 v20, v3;
	v24 =	vmul.f32 v18, v4  }
0x10c: {  	v18 =	vsel vm15, v23, v16;
	v14 =	vmul.f32 $5.000000000e-01, v14;
	v16 =	vadd.f32 v17, v26  }
0x10d: {  	v11 =	vmul.f32 $5.000000000e-01, v11;
	v17 =	vadd.f32 v20, v21;
	(erf) = vrcp.f32 v18  }
0x10e: {  	s28 =	simm.s32 $0x340;
	s26 =	simm.s32 $0x380;
	v23 =	vpop (erf);
	v21 =	vadd.f32 v24, v22;
	(erf) = vrcp.f32 v14;
	v16 =	vmul.f32 $5.000000000e-01, v16  }
0x10f: {  	s25 =	simm.s32 $0x3C0;
	s24 =	simm.s32 $0x440;
	s23 =	simm.s32 $0x480;
	v22 =	vpop (erf);
	v20 =	vmul.f32 $5.000000000e-01, v17;
	v24 =	vmul.f32 v23, v5  }
0x110: {  	s22 =	simm.s32 $0x4C0;
	s10 =	simm.s32 $0xC0;
	s21 =	simm.s32 $0x500;
	[tilespmem:s9+$0x13D00] =	vst v0;
	v26 =	vpop (erf);
	v21 =	vmul.f32 $5.000000000e-01, v21;
	(erf) = vrcp.f32 v16  }
0x111: {  	s20 =	simm.s32 $0x540;
	s0 =	simm.s32 $0x400;
	s1 =	simm.s32 $0x580;
	v17 =	vadd.f32 v27, v25;
	v23 =	vld [tilespmem:s10+$0x13D00];
	v26 =	vmul.f32 v26, v6;
	v25 =	vpop (erf);
	(erf) = vrcp.f32 v20  }
.LBB2_5:
0x112: {  	p0 =	sne.s32 s1, $0x9C0;
	(erf) = vrcp.f32 v21;
	v24 =	vadd.f32 v24, v8;
	v25 =	vmul.f32 v25, v7;
	v8 =	vmovc v21;
	s3 =	smov.u32 s11;
	s11 =	smov.u32 s12  }
0x113: {  	v22 =	vmul.f32 v22, v10;
	v10 =	vmovc v9;
	v9 =	vmovc v7;
	s12 =	smov.u32 s7;
	s7 =	smov.u32 s8;
	s8 =	smov.u32 s9;
	v21 =	vadd.f32 v26, v15;
	(erf) = vrcp.f32 v11  }
0x114: {  	v7 =	vmovc v6;
	v6 =	vmovc v5;
	s9 =	smov.u32 s10;
	s10 =	smov.u32 s28;
	s28 =	smov.u32 s26;
	v15 =	vmul.f32 $5.000000000e-01, v24;
	v24 =	vadd.f32 v25, v13;
	v25 =	vmul.f32 $5.000000000e-01, v17  }
0x115: {  	v5 =	vmovc v4;
	v4 =	vmovc v3;
	s26 =	smov.u32 s25;
	s25 =	smov.u32 s0;
	s0 =	smov.u32 s24;
	v17 =	vadd.f32 v22, v12;
	v13 =	vmul.f32 $5.000000000e-01, v21;
	(erf) = vrcp.f32 v19  }
0x116: {  	s24 =	smov.u32 s23;
	s23 =	smov.u32 s22;
	s22 =	smov.u32 s21;
	v12 =	vadd.f32 $1.000000000e+00, v23;
	v3 =	vpop (erf);
	(erf) = vrcp.f32 v15;
	v23 =	vmul.f32 $5.000000000e-01, v24  }
0x117: {  	s21 =	smov.u32 s20;
	s20 =	smov.u32 s1;
	v19 =	vmov v25;
	v21 =	vmul.f32 v3, v0;
	v22 =	vpop (erf);
	(erf) = vrcp.f32 v13  }
0x118: {  	v3 =	vmovc v2;
	v2 =	vmovc v1;
	[tilespmem:s9+$0x13D00] =	vst v12;
	v24 =	vmul.f32 $6.250000000e-02, v12;
	vm0 =	vge.f32 v12, $4.000000000e+00;
	v25 =	vmul.f32 $5.000000000e-01, v12  }
0x119: {  	vm1 =	vge.f32 v12, $6.553600000e+04;
	v1 =	vmul.f32 $3.906250000e-03, v12;
	vm2 =	vge.f32 v12, $2.560000000e+02;
	v26 =	vpop (erf)  }
0x11a: {  	v28 =	vmul.f32 v22, v2;
	v21 =	vadd.f32 v21, v18;
	v25 =	vsel vm0, v25, v12;
	v18 =	vpop (erf)  }
0x11b: {  	v24 =	vsel vm2, v24, v25;
	v25 =	vmul.f32 v26, v3;
	v26 =	vmul.f32 v18, v4;
	v27 =	vpop (erf)  }
0x11c: {  	v28 =	vadd.f32 v28, v14;
	v14 =	vmul.f32 $5.000000000e-01, v21;
	v18 =	vsel vm1, v1, v24;
	v22 =	vpop (erf)  }
.Ltmp2:
0x11d: {  	v1 =	vmovc v0;
	v0 =	vmovc v12;
	(erf) = vrcp.f32 v18;
	v21 =	vadd.f32 v25, v16;
	v29 =	vadd.f32 v26, v20;
	(pc) =	sbr.rel @p0 .LBB2_5-.Ltmp2, $4  }
0x11e: {  	v12 =	vmov v11;
	v16 =	vmul.f32 $5.000000000e-01, v28;
	(erf) = vrcp.f32 v14;
	v24 =	vpop (erf)  }
0x11f: {  	v11 =	vmov v23;
	v20 =	vmul.f32 $5.000000000e-01, v21;
	v21 =	vmul.f32 $5.000000000e-01, v29;
	v26 =	vpop (erf);
	[tilespmem:s16+$0x13F80] =	vst v24;
	s16 =	smov.u32 s19;
	s19 =	smov.u32 s18;
	s18 =	smov.u32 s17  }
0x120: {  	s10 =	sshra.s32 s10, $0x2;
	v24 =	vmul.f32 v27, v5;
	s17 =	smov.u32 s15;
	s15 =	smov.u32 s14;
	(erf) = vrcp.f32 v16;
	v25 =	vpop (erf)  }
0x121: {  	s1 =	sadd.s32 $0x40, s1;
	s14 =	smov.u32 s13;
	s13 =	smov.u32 s3;
	v26 =	vmul.f32 v26, v6;
	v23 =	vld [tilespmem:s10+$0x13D00];
	(erf) = vrcp.f32 v20  }
0x122: {  	v8 =	vadd.f32 v24, v8;
	(erf) = vrcp.f32 v21  }
0x123: {  	v54 =	vmul.f32 v25, v7;
	v62 =	vmul.f32 v22, v10;
	v15 =	vadd.f32 v26, v15  }
0x124: {  	(erf) = vrcp.f32 v11;
	v55 =	vmul.f32 $5.000000000e-01, v8  }
0x125: {  	(erf) = vrcp.f32 v19;
	v15 =	vmul.f32 $5.000000000e-01, v15  }
0x126: {  	v17 =	vmul.f32 $5.000000000e-01, v17;
	v8 =	vadd.f32 $1.000000000e+00, v23;
	v56 =	vpop (erf);
	(erf) = vrcp.f32 v55  }
0x127: {  	v19 =	vmul.f32 v56, v0;
	(erf) = vrcp.f32 v15  }
0x128: {  	v57 =	vpop (erf);
	v23 =	vmul.f32 $5.000000000e-01, v8;
	v27 =	vmul.f32 $6.250000000e-02, v8  }
0x129: {  	vm0 =	vge.f32 v8, $4.000000000e+00;
	vm1 =	vge.f32 v8, $6.553600000e+04;
	v58 =	vmul.f32 v57, v1  }
0x12a: {  	v28 =	vmul.f32 $3.906250000e-03, v8;
	vm2 =	vge.f32 v8, $2.560000000e+02;
	v29 =	vpop (erf);
	v18 =	vadd.f32 v19, v18  }
0x12b: {  	v23 =	vsel vm0, v23, v8;
	v59 =	vpop (erf);
	v60 =	vmul.f32 v29, v2;
	v14 =	vadd.f32 v58, v14  }
0x12c: {  	v23 =	vsel vm2, v27, v23;
	v26 =	vmul.f32 v59, v3;
	v61 =	vpop (erf);
	v18 =	vmul.f32 $5.000000000e-01, v18  }
0x12d: {  	v23 =	vsel vm1, v28, v23;
	v63 =	vpop (erf);
	v31 =	vadd.f32 v60, v16;
	v33 =	vmul.f32 $5.000000000e-01, v14  }
0x12e: {  	[tilespmem:s10+$0x13D00] =	vst v8;
	v38 =	vmul.f32 v61, v4;
	(erf) = vrcp.f32 v23;
	v32 =	vadd.f32 v26, v20;
	v34 =	vpop (erf)  }
0x12f: {  	v36 =	vadd.f32 v54, v13;
	(erf) = vrcp.f32 v18;
	v35 =	vmul.f32 $5.000000000e-01, v31;
	[tilespmem:s16+$0x13F80] =	vst v34;
	s16 =	sshra.s32 s28, $0x2  }
0x130: {  	v12 =	vadd.f32 v62, v12;
	v16 =	vmul.f32 $5.000000000e-01, v32;
	v37 =	vpop (erf);
	(erf) = vrcp.f32 v33;
	v39 =	vld [tilespmem:s16+$0x13D00]  }
0x131: {  	v41 =	vadd.f32 v38, v21;
	(erf) = vrcp.f32 v35;
	v13 =	vmul.f32 v37, v5  }
0x132: {  	v12 =	vmul.f32 $5.000000000e-01, v12;
	v14 =	vmul.f32 $5.000000000e-01, v36  }
0x133: {  	v40 =	vpop (erf);
	v21 =	vmul.f32 $5.000000000e-01, v41;
	(erf) = vrcp.f32 v16;
	v43 =	vadd.f32 v13, v55  }
0x134: {  	v42 =	vmul.f32 v40, v6;
	(erf) = vrcp.f32 v14  }
0x135: {  	(erf) = vrcp.f32 v17;
	v25 =	vmul.f32 $5.000000000e-01, v43;
	v10 =	vadd.f32 $1.000000000e+00, v39  }
0x136: {  	v55 =	vmul.f32 v63, v9;
	(erf) = vrcp.f32 v21  }
0x137: {  	v61 =	vadd.f32 v42, v15;
	v44 =	vpop (erf);
	(erf) = vrcp.f32 v25;
	v45 =	vmul.f32 $5.000000000e-01, v10  }
0x138: {  	v47 =	vmul.f32 $6.250000000e-02, v10;
	vm13 =	vge.f32 v10, $4.000000000e+00;
	v13 =	vmul.f32 v44, v8;
	v46 =	vpop (erf)  }
0x139: {  	v48 =	vmul.f32 $3.906250000e-03, v10;
	vm14 =	vge.f32 v10, $2.560000000e+02;
	vm15 =	vge.f32 v10, $6.553600000e+04;
	v30 =	vpop (erf)  }
0x13a: {  	v17 =	vsel vm13, v45, v10;
	v49 =	vmul.f32 v46, v0;
	v13 =	vadd.f32 v13, v23;
	v50 =	vpop (erf)  }
0x13b: {  	v17 =	vsel vm14, v47, v17;
	v51 =	vmul.f32 v30, v1;
	v27 =	vmul.f32 v50, v2  }
0x13c: {  	v17 =	vsel vm15, v48, v17;
	v52 =	vpop (erf);
	v54 =	vadd.f32 v49, v18;
	v53 =	vmul.f32 $5.000000000e-01, v13  }
0x13d: {  	(erf) = vrcp.f32 v17;
	v57 =	vadd.f32 v51, v33;
	v63 =	vmul.f32 v52, v3  }
0x13e: {  	v56 =	vpop (erf);
	v13 =	vmul.f32 $5.000000000e-01, v61;
	v58 =	vadd.f32 v27, v35;
	v23 =	vmul.f32 $5.000000000e-01, v54  }
0x13f: {  	[tilespmem:s16+$0x13D00] =	vst v10;
	v59 =	vpop (erf);
	v45 =	vmul.f32 v56, v7;
	(erf) = vrcp.f32 v53  }
0x140: {  	s1 =	sshra.s32 s26, $0x2;
	v50 =	vadd.f32 v55, v11;
	v60 =	vmul.f32 $5.000000000e-01, v57;
	[tilespmem:s19+$0x13F80] =	vst v59;
	v62 =	vpop (erf);
	v20 =	vmul.f32 $5.000000000e-01, v58  }
0x141: {  	v15 =	vadd.f32 v63, v16;
	(erf) = vrcp.f32 v23;
	v28 =	vld [tilespmem:s1+$0x13D00];
	v29 =	vmul.f32 v62, v4  }
0x142: {  	v11 =	vmul.f32 $5.000000000e-01, v50;
	(erf) = vrcp.f32 v60  }
0x143: {  	v31 =	vpop (erf);
	v15 =	vmul.f32 $5.000000000e-01, v15;
	(erf) = vrcp.f32 v20;
	v33 =	vadd.f32 v29, v21  }
0x144: {  	v14 =	vadd.f32 v45, v14;
	v32 =	vmul.f32 v31, v5;
	(erf) = vrcp.f32 v13  }
0x145: {  	v21 =	vmul.f32 $5.000000000e-01, v33;
	(erf) = vrcp.f32 v12  }
0x146: {  	v14 =	vmul.f32 $5.000000000e-01, v14;
	v9 =	vadd.f32 $1.000000000e+00, v28;
	v34 =	vpop (erf);
	(erf) = vrcp.f32 v15  }
0x147: {  	v12 =	vmul.f32 v34, v10;
	(erf) = vrcp.f32 v21  }
0x148: {  	v52 =	vadd.f32 v32, v25;
	v24 =	vmul.f32 $5.000000000e-01, v9;
	v36 =	vmul.f32 $6.250000000e-02, v9  }
0x149: {  	vm4 =	vge.f32 v9, $4.000000000e+00;
	v37 =	vmul.f32 $3.906250000e-03, v9;
	vm5 =	vge.f32 v9, $2.560000000e+02;
	v35 =	vpop (erf)  }
0x14a: {  	vm6 =	vge.f32 v9, $6.553600000e+04;
	v24 =	vsel vm4, v24, v9;
	v38 =	vpop (erf);
	v12 =	vadd.f32 v12, v17  }
0x14b: {  	v39 =	vmul.f32 v35, v8;
	v24 =	vsel vm5, v36, v24;
	v40 =	vpop (erf);
	v41 =	vmul.f32 v38, v0  }
0x14c: {  	v26 =	vmul.f32 v40, v1;
	v24 =	vsel vm6, v37, v24;
	v43 =	vmul.f32 $5.000000000e-01, v12  }
0x14d: {  	v42 =	vpop (erf);
	v44 =	vadd.f32 v39, v53;
	v12 =	vmul.f32 $5.000000000e-01, v52;
	(erf) = vrcp.f32 v24  }
0x14e: {  	v46 =	vpop (erf);
	v47 =	vadd.f32 v41, v23;
	v54 =	vmul.f32 v42, v2;
	v19 =	vadd.f32 v26, v60  }
0x14f: {  	[tilespmem:s1+$0x13D00] =	vst v9;
	(erf) = vrcp.f32 v43;
	v48 =	vmul.f32 $5.000000000e-01, v44;
	v49 =	vpop (erf)  }
0x150: {  	s3 =	sshra.s32 s25, $0x2;
	v51 =	vmul.f32 $5.000000000e-01, v47;
	[tilespmem:s18+$0x13F80] =	vst v49;
	v19 =	vmul.f32 $5.000000000e-01, v19;
	v53 =	vpop (erf)  }
0x151: {  	v16 =	vadd.f32 v54, v20;
	(erf) = vrcp.f32 v48;
	v55 =	vld [tilespmem:s3+$0x13D00];
	v56 =	vmul.f32 v53, v3  }
0x152: {  	v22 =	vmul.f32 v46, v6;
	(erf) = vrcp.f32 v51  }
0x153: {  	v57 =	vpop (erf);
	v60 =	vmul.f32 $5.000000000e-01, v16;
	(erf) = vrcp.f32 v19;
	v59 =	vadd.f32 v56, v15  }
0x154: {  	v13 =	vadd.f32 v22, v13;
	v58 =	vmul.f32 v57, v4;
	(erf) = vrcp.f32 v12  }
0x155: {  	(erf) = vrcp.f32 v11;
	v16 =	vmul.f32 $5.000000000e-01, v59  }
0x156: {  	v13 =	vmul.f32 $5.000000000e-01, v13;
	v7 =	vadd.f32 $1.000000000e+00, v55;
	(erf) = vrcp.f32 v60;
	v61 =	vpop (erf)  }
0x157: {  	v11 =	vmul.f32 v61, v9;
	(erf) = vrcp.f32 v16  }
0x158: {  	v25 =	vmul.f32 $5.000000000e-01, v7;
	v63 =	vmul.f32 $6.250000000e-02, v7  }
0x159: {  	v62 =	vpop (erf);
	vm7 =	vge.f32 v7, $4.000000000e+00;
	v33 =	vmul.f32 $3.906250000e-03, v7;
	vm8 =	vge.f32 v7, $2.560000000e+02  }
0x15a: {  	vm9 =	vge.f32 v7, $6.553600000e+04;
	v35 =	vmul.f32 v62, v10;
	v25 =	vsel vm7, v25, v7;
	v34 =	vpop (erf)  }
0x15b: {  	v11 =	vadd.f32 v11, v24;
	v25 =	vsel vm8, v63, v25;
	v36 =	vpop (erf);
	v37 =	vmul.f32 v34, v8  }
0x15c: {  	v24 =	vadd.f32 v35, v43;
	v26 =	vmul.f32 v36, v0;
	v25 =	vsel vm9, v33, v25;
	v38 =	vpop (erf)  }
0x15d: {  	v44 =	vadd.f32 v58, v21;
	v11 =	vmul.f32 $5.000000000e-01, v11;
	(erf) = vrcp.f32 v25;
	v39 =	vpop (erf)  }
0x15e: {  	v40 =	vadd.f32 v37, v48;
	v41 =	vmul.f32 $5.000000000e-01, v24;
	v46 =	vmul.f32 v38, v1;
	v42 =	vpop (erf)  }
0x15f: {  	[tilespmem:s3+$0x13D00] =	vst v7;
	v18 =	vadd.f32 v26, v51;
	(erf) = vrcp.f32 v11;
	v26 =	vmul.f32 $5.000000000e-01, v44;
	v45 =	vpop (erf)  }
0x160: {  	s25 =	sshra.s32 s0, $0x2;
	v43 =	vmul.f32 $5.000000000e-01, v40;
	[tilespmem:s17+$0x13F80] =	vst v42;
	v20 =	vmul.f32 v45, v2  }
0x161: {  	(erf) = vrcp.f32 v41;
	v19 =	vadd.f32 v46, v19;
	v18 =	vmul.f32 $5.000000000e-01, v18;
	v24 =	vld [tilespmem:s25+$0x13D00]  }
0x162: {  	(erf) = vrcp.f32 v43;
	v49 =	vadd.f32 v20, v60;
	v60 =	vmul.f32 v39, v5  }
0x163: {  	v47 =	vpop (erf);
	v50 =	vmul.f32 $5.000000000e-01, v19;
	(erf) = vrcp.f32 v18  }
0x164: {  	v48 =	vmul.f32 v47, v3;
	(erf) = vrcp.f32 v26;
	v12 =	vadd.f32 v60, v12  }
0x165: {  	v19 =	vmul.f32 $5.000000000e-01, v49;
	(erf) = vrcp.f32 v14  }
0x166: {  	v6 =	vadd.f32 $1.000000000e+00, v24;
	v51 =	vpop (erf);
	(erf) = vrcp.f32 v50;
	v12 =	vmul.f32 $5.000000000e-01, v12  }
0x167: {  	v14 =	vmul.f32 v51, v7;
	(erf) = vrcp.f32 v19  }
0x168: {  	v52 =	vmul.f32 $5.000000000e-01, v6;
	v54 =	vmul.f32 $6.250000000e-02, v6  }
0x169: {  	v53 =	vpop (erf);
	vm10 =	vge.f32 v6, $4.000000000e+00;
	v55 =	vmul.f32 $3.906250000e-03, v6;
	vm11 =	vge.f32 v6, $2.560000000e+02  }
0x16a: {  	vm12 =	vge.f32 v6, $6.553600000e+04;
	v56 =	vpop (erf);
	v24 =	vmul.f32 v53, v9;
	v20 =	vsel vm10, v52, v6  }
0x16b: {  	v14 =	vadd.f32 v14, v25;
	v58 =	vmul.f32 v56, v10;
	v20 =	vsel vm11, v54, v20;
	v57 =	vpop (erf)  }
0x16c: {  	v11 =	vadd.f32 v24, v11;
	v25 =	vmul.f32 v57, v8;
	v20 =	vsel vm12, v55, v20  }
0x16d: {  	v59 =	vpop (erf);
	v14 =	vmul.f32 $5.000000000e-01, v14;
	(erf) = vrcp.f32 v20  }
0x16e: {  	v62 =	vadd.f32 v58, v41;
	v61 =	vpop (erf);
	v63 =	vmul.f32 $5.000000000e-01, v11;
	v17 =	vadd.f32 v25, v43  }
0x16f: {  	[tilespmem:s25+$0x13D00] =	vst v6;
	v36 =	vmul.f32 v59, v0;
	(erf) = vrcp.f32 v14;
	v32 =	vpop (erf)  }
0x170: {  	s26 =	sshra.s32 s24, $0x2;
	v34 =	vadd.f32 v48, v16;
	v33 =	vmul.f32 $5.000000000e-01, v62;
	[tilespmem:s15+$0x13F80] =	vst v32;
	v17 =	vmul.f32 $5.000000000e-01, v17;
	v35 =	vpop (erf)  }
0x171: {  	(erf) = vrcp.f32 v63;
	v37 =	vld [tilespmem:s26+$0x13D00];
	v38 =	vmul.f32 v35, v1  }
0x172: {  	v11 =	vmul.f32 $5.000000000e-01, v34;
	v16 =	vadd.f32 v36, v18;
	(erf) = vrcp.f32 v33  }
0x173: {  	v53 =	vmul.f32 v61, v4;
	(erf) = vrcp.f32 v17;
	v41 =	vadd.f32 v38, v50  }
0x174: {  	v42 =	vmul.f32 $5.000000000e-01, v16;
	(erf) = vrcp.f32 v11  }
0x175: {  	v39 =	vpop (erf);
	(erf) = vrcp.f32 v13;
	v43 =	vmul.f32 $5.000000000e-01, v41  }
0x176: {  	v40 =	vmul.f32 v39, v2;
	v5 =	vadd.f32 $1.000000000e+00, v37;
	(erf) = vrcp.f32 v42;
	v44 =	vpop (erf)  }
0x177: {  	v13 =	vmul.f32 v44, v6;
	(erf) = vrcp.f32 v43  }
0x178: {  	v21 =	vmul.f32 $5.000000000e-01, v5;
	v46 =	vmul.f32 $6.250000000e-02, v5  }
0x179: {  	v45 =	vpop (erf);
	vm13 =	vge.f32 v5, $4.000000000e+00;
	v47 =	vmul.f32 $3.906250000e-03, v5;
	vm14 =	vge.f32 v5, $2.560000000e+02  }
0x17a: {  	vm15 =	vge.f32 v5, $6.553600000e+04;
	v49 =	vmul.f32 v45, v7;
	v21 =	vsel vm13, v21, v5;
	v48 =	vpop (erf)  }
0x17b: {  	v13 =	vadd.f32 v13, v20;
	v21 =	vsel vm14, v46, v21;
	v50 =	vpop (erf);
	v51 =	vmul.f32 v48, v9  }
0x17c: {  	v14 =	vadd.f32 v49, v14;
	v25 =	vmul.f32 v50, v10;
	v21 =	vsel vm15, v47, v21;
	v52 =	vpop (erf)  }
0x17d: {  	v58 =	vadd.f32 v40, v19;
	v13 =	vmul.f32 $5.000000000e-01, v13;
	(erf) = vrcp.f32 v21;
	v29 =	vpop (erf)  }
0x17e: {  	[tilespmem:s26+$0x13D00] =	vst v5;
	v54 =	vadd.f32 v51, v63;
	v55 =	vmul.f32 $5.000000000e-01, v14;
	v60 =	vmul.f32 v52, v8;
	v56 =	vpop (erf)  }
0x17f: {  	s28 =	sshra.s32 s23, $0x2;
	v14 =	vmul.f32 $5.000000000e-01, v58;
	v22 =	vadd.f32 v25, v33;
	(erf) = vrcp.f32 v13;
	[tilespmem:s14+$0x13F80] =	vst v56  }
0x180: {  	v57 =	vmul.f32 $5.000000000e-01, v54;
	(erf) = vrcp.f32 v55;
	v61 =	vld [tilespmem:s28+$0x13D00]  }
0x181: {  	v33 =	vadd.f32 v53, v26;
	v59 =	vpop (erf);
	v54 =	vmul.f32 v29, v3;
	v22 =	vmul.f32 $5.000000000e-01, v22  }
0x182: {  	v17 =	vadd.f32 v60, v17;
	v62 =	vmul.f32 v59, v0;
	(erf) = vrcp.f32 v57  }
0x183: {  	v19 =	vmul.f32 $5.000000000e-01, v33;
	v63 =	vpop (erf);
	(erf) = vrcp.f32 v22  }
0x184: {  	v30 =	vmul.f32 $5.000000000e-01, v17;
	v28 =	vadd.f32 v62, v42;
	(erf) = vrcp.f32 v14  }
0x185: {  	v27 =	vmul.f32 v63, v1;
	(erf) = vrcp.f32 v12;
	v4 =	vadd.f32 $1.000000000e+00, v61  }
0x186: {  	v31 =	vmul.f32 $5.000000000e-01, v28;
	v32 =	vpop (erf);
	(erf) = vrcp.f32 v30  }
0x187: {  	v16 =	vadd.f32 v27, v43;
	v12 =	vmul.f32 v32, v5;
	v34 =	vmul.f32 $5.000000000e-01, v4  }
0x188: {  	(erf) = vrcp.f32 v31;
	v36 =	vmul.f32 $6.250000000e-02, v4;
	vm4 =	vge.f32 v4, $4.000000000e+00  }
0x189: {  	v35 =	vpop (erf);
	v37 =	vmul.f32 $3.906250000e-03, v4;
	vm6 =	vge.f32 v4, $2.560000000e+02;
	v18 =	vsel vm4, v34, v4  }
0x18a: {  	vm5 =	vge.f32 v4, $6.553600000e+04;
	v38 =	vpop (erf);
	v20 =	vmul.f32 v35, v6;
	v18 =	vsel vm6, v36, v18  }
0x18b: {  	v12 =	vadd.f32 v12, v21;
	v40 =	vmul.f32 v38, v7;
	v39 =	vpop (erf);
	v18 =	vsel vm5, v37, v18  }
0x18c: {  	v43 =	vadd.f32 v20, v13;
	v21 =	vmul.f32 v39, v9;
	v41 =	vpop (erf);
	(erf) = vrcp.f32 v18  }
0x18d: {  	v13 =	vmul.f32 $5.000000000e-01, v16;
	v42 =	vmul.f32 $5.000000000e-01, v12;
	v45 =	vadd.f32 v40, v55;
	v44 =	vpop (erf)  }
0x18e: {  	[tilespmem:s28+$0x13D00] =	vst v4;
	v46 =	vmul.f32 $5.000000000e-01, v43;
	v48 =	vmul.f32 v41, v10;
	v21 =	vadd.f32 v21, v57;
	v47 =	vpop (erf)  }
0x18f: {  	s29 =	sshra.s32 s22, $0x2;
	(erf) = vrcp.f32 v42;
	v20 =	vmul.f32 $5.000000000e-01, v45;
	[tilespmem:s13+$0x13F80] =	vst v47  }
0x190: {  	v21 =	vmul.f32 $5.000000000e-01, v21;
	v49 =	vpop (erf);
	(erf) = vrcp.f32 v46;
	v50 =	vld [tilespmem:s29+$0x13D00]  }
0x191: {  	v12 =	vadd.f32 v48, v22;
	v51 =	vpop (erf);
	(erf) = vrcp.f32 v20;
	v24 =	vmul.f32 v49, v8  }
0x192: {  	v11 =	vadd.f32 v54, v11;
	(erf) = vrcp.f32 v21;
	v52 =	vmul.f32 v51, v0  }
0x193: {  	v53 =	vmul.f32 $5.000000000e-01, v12;
	v15 =	vadd.f32 v24, v30;
	(erf) = vrcp.f32 v13  }
0x194: {  	v11 =	vmul.f32 $5.000000000e-01, v11;
	v55 =	vadd.f32 v52, v31;
	(erf) = vrcp.f32 v19  }
0x195: {  	v15 =	vmul.f32 $5.000000000e-01, v15;
	v3 =	vadd.f32 $1.000000000e+00, v50;
	v56 =	vpop (erf);
	(erf) = vrcp.f32 v53  }
0x196: {  	v12 =	vmul.f32 $5.000000000e-01, v55;
	v17 =	vmul.f32 v56, v4  }
0x197: {  	(erf) = vrcp.f32 v15;
	v57 =	vmul.f32 $5.000000000e-01, v3  }
0x198: {  	v58 =	vpop (erf);
	v25 =	vmul.f32 $6.250000000e-02, v3;
	vm7 =	vge.f32 v3, $4.000000000e+00;
	vm8 =	vge.f32 v3, $6.553600000e+04  }
0x199: {  	v59 =	vmul.f32 $3.906250000e-03, v3;
	vm9 =	vge.f32 v3, $2.560000000e+02;
	v22 =	vmul.f32 v58, v5;
	v60 =	vpop (erf)  }
0x19a: {  	v19 =	vsel vm7, v57, v3;
	v17 =	vadd.f32 v17, v18;
	v61 =	vpop (erf);
	v29 =	vmul.f32 v60, v6  }
0x19b: {  	v19 =	vsel vm9, v25, v19;
	v22 =	vadd.f32 v22, v42;
	v18 =	vmul.f32 v61, v7  }
0x19c: {  	v62 =	vpop (erf);
	v19 =	vsel vm8, v59, v19;
	v17 =	vmul.f32 $5.000000000e-01, v17;
	v23 =	vadd.f32 v29, v46  }
0x19d: {  	v27 =	vpop (erf);
	(erf) = vrcp.f32 v19;
	v63 =	vmul.f32 $5.000000000e-01, v22;
	v18 =	vadd.f32 v18, v20  }
0x19e: {  	[tilespmem:s29+$0x13D00] =	vst v3;
	v32 =	vpop (erf);
	(erf) = vrcp.f32 v17;
	v23 =	vmul.f32 $5.000000000e-01, v23  }
0x19f: {  	s30 =	sshra.s32 s21, $0x2;
	[tilespmem:s11+$0x13F80] =	vst v32;
	(erf) = vrcp.f32 v63;
	v18 =	vmul.f32 $5.000000000e-01, v18  }
0x1a0: {  	v25 =	vmul.f32 v62, v9;
	v22 =	vld [tilespmem:s30+$0x13D00];
	(erf) = vrcp.f32 v23  }
0x1a1: {  	v34 =	vmul.f32 v44, v2;
	(erf) = vrcp.f32 v18  }
0x1a2: {  	v21 =	vadd.f32 v25, v21;
	v33 =	vpop (erf);
	(erf) = vrcp.f32 v12  }
0x1a3: {  	v2 =	vadd.f32 v34, v14;
	v25 =	vmul.f32 v33, v10;
	(erf) = vrcp.f32 v11  }
0x1a4: {  	v21 =	vmul.f32 $5.000000000e-01, v21  }
0x1a5: {  	v49 =	vmul.f32 $5.000000000e-01, v2;
	v35 =	vpop (erf);
	v36 =	vadd.f32 v25, v53;
	v11 =	vadd.f32 $1.000000000e+00, v22  }
0x1a6: {  	v16 =	vmul.f32 v35, v8;
	(erf) = vrcp.f32 v21;
	v37 =	vpop (erf)  }
0x1a7: {  	v22 =	vmul.f32 $5.000000000e-01, v36;
	v38 =	vmul.f32 $5.000000000e-01, v11;
	v39 =	vpop (erf)  }
0x1a8: {  	v24 =	vmul.f32 v37, v3;
	v40 =	vmul.f32 $6.250000000e-02, v11;
	v42 =	vpop (erf)  }
0x1a9: {  	vm10 =	vge.f32 v11, $4.000000000e+00;
	v41 =	vmul.f32 $3.906250000e-03, v11;
	vm11 =	vge.f32 v11, $2.560000000e+02;
	v43 =	vpop (erf)  }
0x1aa: {  	vm12 =	vge.f32 v11, $6.553600000e+04;
	(erf) = vrcp.f32 v22;
	v44 =	vmul.f32 v39, v4;
	v45 =	vpop (erf)  }
0x1ab: {  	v25 =	vsel vm10, v38, v11;
	v19 =	vadd.f32 v24, v19;
	v46 =	vmul.f32 v42, v5;
	v47 =	vpop (erf)  }
0x1ac: {  	[tilespmem:s30+$0x13D00] =	vst v11;
	v25 =	vsel vm11, v40, v25;
	v17 =	vadd.f32 v44, v17;
	v28 =	vmul.f32 v43, v6;
	v48 =	vpop (erf)  }
0x1ad: {  	s31 =	sshra.s32 s20, $0x2;
	v25 =	vsel vm12, v41, v25;
	v19 =	vmul.f32 $5.000000000e-01, v19;
	v14 =	vadd.f32 v46, v63;
	[tilespmem:s12+$0x13F80] =	vst v48  }
0x1ae: {  	v17 =	vmul.f32 $5.000000000e-01, v17;
	v54 =	vmul.f32 v45, v7;
	v50 =	vadd.f32 v28, v23;
	v51 =	vld [tilespmem:s31+$0x13D00]  }
0x1af: {  	(erf) = vrcp.f32 v25;
	v14 =	vmul.f32 $5.000000000e-01, v14  }
0x1b0: {  	v15 =	vadd.f32 v16, v15;
	(erf) = vrcp.f32 v19;
	v53 =	vpop (erf);
	v52 =	vmul.f32 $5.000000000e-01, v50  }
0x1b1: {  	(erf) = vrcp.f32 v17;
	v2 =	vmul.f32 v53, v9  }
0x1b2: {  	v15 =	vmul.f32 $5.000000000e-01, v15;
	v18 =	vadd.f32 v54, v18;
	(erf) = vrcp.f32 v14  }
0x1b3: {  	(erf) = vrcp.f32 v52;
	v21 =	vadd.f32 v2, v21;
	v2 =	vadd.f32 $1.000000000e+00, v51  }
0x1b4: {  	v18 =	vmul.f32 $5.000000000e-01, v18;
	(erf) = vrcp.f32 v15  }
0x1b5: {  	v21 =	vmul.f32 $5.000000000e-01, v21;
	v23 =	vmul.f32 $5.000000000e-01, v2  }
0x1b6: {  	(erf) = vrcp.f32 v49;
	v55 =	vmul.f32 $6.250000000e-02, v2;
	vm13 =	vge.f32 v2, $4.000000000e+00  }
0x1b7: {  	v56 =	vmul.f32 $3.906250000e-03, v2;
	vm14 =	vge.f32 v2, $2.560000000e+02;
	v23 =	vsel vm13, v23, v2  }
0x1b8: {  	v57 =	vpop (erf);
	(erf) = vrcp.f32 v18;
	vm15 =	vge.f32 v2, $6.553600000e+04;
	v20 =	vsel vm14, v55, v23  }
0x1b9: {  	(erf) = vrcp.f32 v21;
	v20 =	vsel vm15, v56, v20  }
0x1ba: {  	v26 =	vmul.f32 v57, v10;
	v58 =	vpop (erf);
	(erf) = vrcp.f32 v20  }
0x1bb: {  	v59 =	vpop (erf)  }
0x1bc: {  	v22 =	vadd.f32 v26, v22;
	v60 =	vpop (erf);
	v23 =	vmul.f32 v58, v11  }
0x1bd: {  	v24 =	vmul.f32 v59, v3;
	v61 =	vpop (erf);
	v28 =	vmul.f32 v60, v4  }
0x1be: {  	v27 =	vmul.f32 v27, v1;
	v22 =	vmul.f32 $5.000000000e-01, v22;
	v62 =	vpop (erf);
	v23 =	vadd.f32 v23, v25  }
0x1bf: {  	v19 =	vadd.f32 v24, v19;
	v25 =	vmul.f32 v61, v5;
	v63 =	vpop (erf);
	v17 =	vadd.f32 v28, v17  }
0x1c0: {  	v26 =	vmul.f32 v62, v6;
	v1 =	vpop (erf);
	v23 =	vmul.f32 $5.000000000e-01, v23  }
0x1c1: {  	v19 =	vmul.f32 $5.000000000e-01, v19;
	v14 =	vadd.f32 v25, v14;
	v17 =	vmul.f32 $5.000000000e-01, v17;
	v32 =	vpop (erf)  }
0x1c2: {  	v33 =	vpop (erf);
	v25 =	vmul.f32 v32, v7;
	(erf) = vrcp.f32 v23  }
0x1c3: {  	v13 =	vadd.f32 v27, v13;
	v14 =	vmul.f32 $5.000000000e-01, v14;
	(erf) = vrcp.f32 v19;
	v34 =	vpop (erf)  }
0x1c4: {  	v16 =	vadd.f32 v26, v52;
	(erf) = vrcp.f32 v17;
	v35 =	vmul.f32 v34, v2  }
0x1c5: {  	v13 =	vmul.f32 $5.000000000e-01, v13;
	v18 =	vadd.f32 v25, v18;
	(erf) = vrcp.f32 v14  }
0x1c6: {  	v16 =	vmul.f32 $5.000000000e-01, v16;
	(erf) = vrcp.f32 v22;
	v20 =	vadd.f32 v35, v20  }
0x1c7: {  	v18 =	vmul.f32 $5.000000000e-01, v18;
	(erf) = vrcp.f32 v13  }
0x1c8: {  	(erf) = vrcp.f32 v16;
	v36 =	vmul.f32 $5.000000000e-01, v20  }
0x1c9: {  	(erf) = vrcp.f32 v18  }
0x1ca: {  	(erf) = vrcp.f32 v36  }
0x1cb: {  	v37 =	vpop (erf)  }
0x1cc: {  	v39 =	vpop (erf);
	v20 =	vmul.f32 v37, v11  }
0x1cd: {  	v38 =	vmul.f32 v33, v9;
	v40 =	vpop (erf)  }
0x1ce: {  	v26 =	vmul.f32 v39, v3;
	v42 =	vpop (erf);
	v20 =	vadd.f32 v20, v23  }
0x1cf: {  	v21 =	vadd.f32 v38, v21;
	v41 =	vmul.f32 v40, v4;
	v43 =	vpop (erf)  }
0x1d0: {  	v44 =	vmul.f32 v47, v0;
	v19 =	vadd.f32 v26, v19;
	v0 =	vpop (erf);
	v20 =	vmul.f32 $5.000000000e-01, v20  }
0x1d1: {  	v21 =	vmul.f32 $5.000000000e-01, v21;
	v27 =	vmul.f32 v42, v5;
	v17 =	vadd.f32 v41, v17;
	v45 =	vpop (erf)  }
0x1d2: {  	v19 =	vmul.f32 $5.000000000e-01, v19;
	v46 =	vpop (erf);
	(erf) = vrcp.f32 v20  }
0x1d3: {  	v12 =	vadd.f32 v44, v12;
	v17 =	vmul.f32 $5.000000000e-01, v17;
	v25 =	vmul.f32 v45, v6;
	v47 =	vpop (erf)  }
0x1d4: {  	v14 =	vadd.f32 v27, v14;
	(erf) = vrcp.f32 v19;
	v26 =	vmul.f32 v47, v2  }
0x1d5: {  	v12 =	vmul.f32 $5.000000000e-01, v12;
	(erf) = vrcp.f32 v17;
	v16 =	vadd.f32 v25, v16  }
0x1d6: {  	v14 =	vmul.f32 $5.000000000e-01, v14;
	(erf) = vrcp.f32 v21;
	v13 =	vadd.f32 v26, v36  }
0x1d7: {  	v16 =	vmul.f32 $5.000000000e-01, v16;
	(erf) = vrcp.f32 v12  }
0x1d8: {  	(erf) = vrcp.f32 v14;
	v13 =	vmul.f32 $5.000000000e-01, v13  }
0x1d9: {  	(erf) = vrcp.f32 v16  }
0x1da: {  	(erf) = vrcp.f32 v13  }
0x1db: {  	v48 =	vpop (erf)  }
0x1dc: {  	v12 =	vmul.f32 v48, v11  }
0x1dd: {  	v49 =	vmul.f32 v46, v7;
	v50 =	vpop (erf)  }
0x1de: {  	v51 =	vpop (erf)  }
0x1df: {  	v18 =	vadd.f32 v49, v18;
	v52 =	vmul.f32 v50, v3;
	v53 =	vpop (erf)  }
0x1e0: {  	v20 =	vadd.f32 v12, v20;
	v12 =	vpop (erf)  }
0x1e1: {  	v8 =	vmul.f32 v63, v8;
	v18 =	vmul.f32 $5.000000000e-01, v18;
	v19 =	vadd.f32 v52, v19;
	v54 =	vpop (erf)  }
0x1e2: {  	v55 =	vmul.f32 v51, v4;
	v20 =	vmul.f32 $5.000000000e-01, v20;
	v56 =	vpop (erf)  }
0x1e3: {  	v8 =	vadd.f32 v8, v15;
	v57 =	vmul.f32 $5.000000000e-01, v19;
	v58 =	vmul.f32 v54, v5;
	v59 =	vpop (erf)  }
0x1e4: {  	v17 =	vadd.f32 v55, v17;
	(erf) = vrcp.f32 v20;
	v24 =	vmul.f32 v59, v2  }
0x1e5: {  	v8 =	vmul.f32 $5.000000000e-01, v8;
	(erf) = vrcp.f32 v57;
	v14 =	vadd.f32 v58, v14  }
0x1e6: {  	v17 =	vmul.f32 $5.000000000e-01, v17;
	(erf) = vrcp.f32 v18;
	v13 =	vadd.f32 v24, v13  }
0x1e7: {  	(erf) = vrcp.f32 v8;
	v14 =	vmul.f32 $5.000000000e-01, v14  }
0x1e8: {  	(erf) = vrcp.f32 v17;
	v60 =	vmul.f32 $5.000000000e-01, v13  }
0x1e9: {  	(erf) = vrcp.f32 v14  }
0x1ea: {  	(erf) = vrcp.f32 v60;
	_ =	sdelay $0x2  }
0x1eb: {  	v61 =	vpop (erf)  }
0x1ec: {  	v13 =	vmul.f32 v61, v11;
	v62 =	vpop (erf)  }
0x1ed: {  	v10 =	vmul.f32 v43, v10;
	v63 =	vmul.f32 v56, v6;
	v28 =	vpop (erf)  }
0x1ee: {  	v13 =	vadd.f32 v13, v20;
	v29 =	vpop (erf)  }
0x1ef: {  	v10 =	vadd.f32 v10, v22;
	v16 =	vadd.f32 v63, v16;
	v19 =	vmul.f32 v62, v3;
	v30 =	vpop (erf)  }
0x1f0: {  	v13 =	vmul.f32 $5.000000000e-01, v13;
	v22 =	vmul.f32 v30, v4;
	v31 =	vpop (erf)  }
0x1f1: {  	v10 =	vmul.f32 $5.000000000e-01, v10;
	v16 =	vmul.f32 $5.000000000e-01, v16;
	v15 =	vadd.f32 v19, v57;
	v32 =	vpop (erf)  }
0x1f2: {  	(erf) = vrcp.f32 v13;
	v17 =	vadd.f32 v22, v17;
	v19 =	vmul.f32 v32, v2  }
0x1f3: {  	v15 =	vmul.f32 $5.000000000e-01, v15;
	(erf) = vrcp.f32 v16  }
0x1f4: {  	v17 =	vmul.f32 $5.000000000e-01, v17;
	(erf) = vrcp.f32 v10;
	v8 =	vadd.f32 v19, v60  }
0x1f5: {  	(erf) = vrcp.f32 v15  }
0x1f6: {  	(erf) = vrcp.f32 v17;
	v8 =	vmul.f32 $5.000000000e-01, v8;
	_ =	sdelay $0x1  }
0x1f7: {  	(erf) = vrcp.f32 v8;
	_ =	sdelay $0x2  }
0x1f8: {  	v33 =	vmul.f32 v31, v5;
	v34 =	vpop (erf)  }
0x1f9: {  	v9 =	vmul.f32 v53, v9;
	v35 =	vpop (erf)  }
0x1fa: {  	v10 =	vadd.f32 v33, v14;
	v36 =	vpop (erf)  }
0x1fb: {  	v9 =	vadd.f32 v9, v21;
	v19 =	vmul.f32 v34, v11;
	v37 =	vpop (erf)  }
0x1fc: {  	v10 =	vmul.f32 $5.000000000e-01, v10;
	v38 =	vpop (erf);
	v23 =	vmul.f32 v37, v3  }
0x1fd: {  	v9 =	vmul.f32 $5.000000000e-01, v9;
	v13 =	vadd.f32 v19, v13;
	v39 =	vmul.f32 v38, v4  }
0x1fe: {  	v7 =	vmul.f32 v28, v7;
	(erf) = vrcp.f32 v10;
	v15 =	vadd.f32 v23, v15;
	v40 =	vpop (erf)  }
0x1ff: {  	v13 =	vmul.f32 $5.000000000e-01, v13;
	v17 =	vadd.f32 v39, v17;
	v41 =	vmul.f32 v40, v2  }
0x200: {  	v7 =	vadd.f32 v7, v18;
	(erf) = vrcp.f32 v9;
	v15 =	vmul.f32 $5.000000000e-01, v15  }
0x201: {  	(erf) = vrcp.f32 v13;
	v42 =	vmul.f32 $5.000000000e-01, v17;
	v8 =	vadd.f32 v41, v8  }
0x202: {  	v7 =	vmul.f32 $5.000000000e-01, v7;
	(erf) = vrcp.f32 v15  }
0x203: {  	(erf) = vrcp.f32 v42;
	v8 =	vmul.f32 $5.000000000e-01, v8  }
0x204: {  	(erf) = vrcp.f32 v7  }
0x205: {  	(erf) = vrcp.f32 v8;
	_ =	sdelay $0x2  }
0x206: {  	v43 =	vpop (erf)  }
0x207: {  	v44 =	vpop (erf)  }
0x208: {  	v45 =	vpop (erf)  }
0x209: {  	v46 =	vpop (erf)  }
0x20a: {  	v18 =	vmul.f32 v45, v11;
	v47 =	vpop (erf)  }
0x20b: {  	v19 =	vmul.f32 v46, v3;
	v48 =	vpop (erf)  }
0x20c: {  	v6 =	vmul.f32 v35, v6;
	v13 =	vadd.f32 v18, v13;
	v49 =	vpop (erf)  }
0x20d: {  	v15 =	vadd.f32 v19, v15;
	v18 =	vmul.f32 v49, v2  }
0x20e: {  	v6 =	vadd.f32 v6, v16;
	v13 =	vmul.f32 $5.000000000e-01, v13  }
0x20f: {  	v15 =	vmul.f32 $5.000000000e-01, v15;
	v8 =	vadd.f32 v18, v8  }
0x210: {  	v6 =	vmul.f32 $5.000000000e-01, v6;
	(erf) = vrcp.f32 v13  }
0x211: {  	(erf) = vrcp.f32 v15;
	v8 =	vmul.f32 $5.000000000e-01, v8  }
0x212: {  	(erf) = vrcp.f32 v6  }
0x213: {  	(erf) = vrcp.f32 v8;
	_ =	sdelay $0x5  }
0x214: {  	v50 =	vpop (erf)  }
0x215: {  	v51 =	vpop (erf)  }
0x216: {  	v6 =	vmul.f32 v50, v11;
	v52 =	vpop (erf)  }
0x217: {  	v5 =	vmul.f32 v43, v5;
	v53 =	vpop (erf)  }
0x218: {  	v6 =	vadd.f32 v6, v13;
	v7 =	vmul.f32 v53, v2  }
0x219: {  	v5 =	vadd.f32 v5, v10  }
0x21a: {  	v6 =	vmul.f32 $5.000000000e-01, v6;
	v7 =	vadd.f32 v7, v8  }
0x21b: {  	v5 =	vmul.f32 $5.000000000e-01, v5  }
0x21c: {  	(erf) = vrcp.f32 v6;
	v7 =	vmul.f32 $5.000000000e-01, v7  }
0x21d: {  	(erf) = vrcp.f32 v5  }
0x21e: {  	(erf) = vrcp.f32 v7;
	_ =	sdelay $0x6  }
0x21f: {  	v4 =	vmul.f32 v47, v4;
	v54 =	vpop (erf)  }
0x220: {  	v3 =	vmul.f32 v51, v3;
	v55 =	vpop (erf)  }
0x221: {  	v4 =	vadd.f32 v4, v42;
	v5 =	vmul.f32 v54, v11;
	v56 =	vpop (erf)  }
0x222: {  	v3 =	vadd.f32 v3, v15;
	v9 =	vmul.f32 v56, v2  }
0x223: {  	v4 =	vmul.f32 $5.000000000e-01, v4;
	v5 =	vadd.f32 v5, v6  }
0x224: {  	v3 =	vmul.f32 $5.000000000e-01, v3;
	v57 =	vadd.f32 v9, v7  }
0x225: {  	[tilespmem:s31+$0x13D00] =	vst v2;
	(erf) = vrcp.f32 v4;
	v58 =	vmul.f32 $5.000000000e-01, v5  }
0x226: {  	[tilespmem:s7+$0x13F80] =	vst v1;
	(erf) = vrcp.f32 v3;
	v59 =	vmul.f32 $5.000000000e-01, v57  }
0x227: {  	[tilespmem:s8+$0x13F80] =	vst v0;
	(erf) = vrcp.f32 v58  }
0x228: {  	[tilespmem:s9+$0x13F80] =	vst v12;
	(erf) = vrcp.f32 v59  }
0x229: {  	[tilespmem:s10+$0x13F80] =	vst v29  }
0x22a: {  	[tilespmem:s16+$0x13F80] =	vst v36  }
0x22b: {  	[tilespmem:s1+$0x13F80] =	vst v44  }
0x22c: {  	[tilespmem:s3+$0x13F80] =	vst v48  }
0x22d: {  	[tilespmem:s25+$0x13F80] =	vst v52  }
0x22e: {  	[tilespmem:s26+$0x13F80] =	vst v55;
	v60 =	vpop (erf)  }
0x22f: {  	[tilespmem:s28+$0x13F80] =	vst v60;
	v61 =	vpop (erf)  }
0x230: {  	s0 =	simm.s32 $0xFD00;
	[tilespmem:s29+$0x13F80] =	vst v61;
	v62 =	vpop (erf)  }
0x231: {  	s7 =	simm.s32 $0x13F80;
	s8 =	simm.s32 $0xDD00;
	s9 =	simm.s32 $0x0;
	[tilespmem:s30+$0x13F80] =	vst v62;
	v63 =	vpop (erf)  }
0x232: {  	s10 =	simm.s32 $0x0;
	s1 =	simm.s32 $0x0;
	s3 =	simm.s32 $0x7;
	[tilespmem:s31+$0x13F80] =	vst v63  }
.LBB2_7:
0x233: {  	s11 =	sshll.u32 s10, $0x7  }
0x234: {  	s11 =	sadd.s32 s2, s11  }
0x235: {  	s11 =	sshll.u32 s11, $0x3  }
0x236: {  	s12 =	sadd.s32 s6, s11  }
0x237: {  	[tilespmem:s0], [sflag:$0x7] =	stream.linear.gather [hbm4b:s12+s1], $0x2000, $0x38;
	[tilespmem:$0x1E500] =	vst v63  }
0x238: {  	v0 =	vmov s9;
	_ =	swait.ge [sflag:s3], $0x2000  }
0x239: {  	[sflag:s3] =	ssyncset.done $0x0  }
0x23a: {  	s12 =	simm.s32 $0x0;
	[sflag:s3] =	ssyncadd.s32 $0xFFFFE000  }
0x23b: {  	v1 =	vld [tilespmem:s12+$0xFD00]  }
0x23c: {  	v2 =	vld [tilespmem:s12+$0xFD10]  }
0x23d: {  	v5 =	vld.idx.msk [tilespmem:v0+s7+$0x0], $0xffff  }
0x23e: {  	v4 =	vld [tilespmem:s12+$0xFD20]  }
0x23f: {  	v6 =	vld [tilespmem:s12+$0xFD30];
	_ =	sdelay $0x3  }
0x240: {  	s13 =	sadd.s32 $0x1, s9;
	v3 =	vmul.f32 v1, v5;
	v1 =	vmul.f32 v2, v5  }
0x241: {  	s14 =	simm.s32 $0x100;
	s15 =	simm.s32 $0x200;
	v0 =	vmov s13;
	v4 =	vmul.f32 v4, v5;
	v2 =	vmul.f32 v6, v5  }
.LBB2_8:
0x242: {  	p0 =	sne.s32 s15, $0x7F00;
	[tilespmem:s12+$0xDD00] =	vst v3  }
0x243: {  	s16 =	sshra.s32 s14, $0x2;
	s14 =	smov.u32 s15;
	[tilespmem:s12+$0xDD10] =	vst v1  }
0x244: {  	v1 =	vld [tilespmem:s16+$0xFD00];
	[tilespmem:s12+$0xDD20] =	vst v4  }
0x245: {  	v4 =	vld [tilespmem:s16+$0xFD10];
	[tilespmem:s12+$0xDD30] =	vst v2;
	s12 =	smov.u32 s16  }
0x246: {  	v2 =	vld.idx.msk [tilespmem:v0+s7+$0x0], $0xffff  }
0x247: {  	v5 =	vld [tilespmem:s12+$0xFD20]  }
0x248: {  	v6 =	vld [tilespmem:s12+$0xFD30]  }
.Ltmp3:
0x249: {  	(pc) =	sbr.rel @p0 .LBB2_8-.Ltmp3, $3  }
0x24a: {  	_ =	sdelay $0x1  }
0x24b: {  	s13 =	sadd.s32 $0x1, s13;
	v3 =	vmul.f32 v1, v2;
	v1 =	vmul.f32 v4, v2  }
0x24c: {  	s15 =	sadd.s32 $0x100, s15;
	v0 =	vmov s13;
	v4 =	vmul.f32 v5, v2;
	v2 =	vmul.f32 v6, v2  }
0x24d: {  	[tilespmem:s12+$0xDD00] =	vst v3  }
0x24e: {  	s13 =	sshra.s32 s14, $0x2;
	[tilespmem:s12+$0xDD10] =	vst v1  }
0x24f: {  	v1 =	vld [tilespmem:s13+$0xFD00];
	[tilespmem:s12+$0xDD20] =	vst v4  }
0x250: {  	v3 =	vld [tilespmem:s13+$0xFD10];
	[tilespmem:s12+$0xDD30] =	vst v2  }
0x251: {  	v0 =	vld.idx.msk [tilespmem:v0+s7+$0x0], $0xffff;
	_ =	sdelay $0x1  }
0x252: {  	v2 =	vld [tilespmem:s13+$0xFD20]  }
0x253: {  	v4 =	vld [tilespmem:s13+$0xFD30];
	_ =	sdelay $0x1  }
0x254: {  	v1 =	vmul.f32 v1, v0  }
0x255: {  	v3 =	vmul.f32 v3, v0  }
0x256: {  	v2 =	vmul.f32 v2, v0;
	[tilespmem:s13+$0xDD00] =	vst v1  }
0x257: {  	s10 =	sadd.s32 $0x1, s10;
	v0 =	vmul.f32 v4, v0;
	[tilespmem:s13+$0xDD10] =	vst v3  }
0x258: {  	p0 =	sne.s32 s10, $0x5;
	[tilespmem:s13+$0xDD20] =	vst v2  }
.Ltmp4:
0x259: {  	s11 =	sadd.s32 s4, s11;
	[tilespmem:s13+$0xDD30] =	vst v0;
	(pc) =	sbr.rel @p0 .LBB2_7-.Ltmp4, $4  }
0x25a: {  	[hbm4b:s11+s1] =	stream.linear.scatter [tilespmem:s8], [sflag:$0x7], $0x2000, $0x38;
	[tilespmem:$0x1E500] =	vst v63  }
0x25b: {  	_ =	swait.ge [sflag:s3], $0x2000  }
0x25c: {  	[sflag:s3] =	ssyncset.done $0x0  }
0x25d: {  	s9 =	sadd.s32 $0x80, s9;
	[sflag:s3] =	ssyncadd.s32 $0xFFFFE000  }
0x25e: {  	[bflag:$0x0] =	sbarrier.arrive $0xFFFF;
	s7 =	simm.s32 $0x0  }
0x25f: {  	s8 =	simm.s32 $0x80;
	s9 =	simm.s32 $0x9D00;
	s10 =	simm.s32 $0xBD00  }
0x260: {  	s12 =	simm.s32 $0xDD00;
	s13 =	simm.s32 $0x1;
	s14 =	simm.s32 $0x2  }
0x261: {  	s15 =	simm.s32 $0x3;
	s16 =	simm.s32 $0x4;
	s17 =	simm.s32 $0x5  }
0x262: {  	s18 =	simm.s32 $0x6;
	s21 =	simm.s32 $0x4D80;
	s25 =	simm.s32 $0x4E00  }
0x263: {  	s26 =	simm.s32 $0x7;
	s28 =	simm.s32 $0x9C80;
	s29 =	simm.s32 $0xFD00  }
0x264: {  	s30 =	simm.s32 $0x11D00;
	s31 =	simm.s32 $0x13F80;
	s0 =	simm.s32 $0x0  }
.LBB2_11:
0x265: {  	[tilespmem:s9], [sflag:$0x1] =	stream.indirect.gather [hbm4b:s4+s8], $0x40, s7, s8, $0xb8;
	[tilespmem:$0x1E500] =	vst v63  }
0x266: {  	_ = 	snop  }
0x267: {  	[tilespmem:s10], [sflag:$0x2] =	stream.indirect.gather [hbm4b:s4+s8], $0x40, s8, s8, $0xb8;
	[tilespmem:$0x1E500] =	vst v63  }
0x268: {  	s1 =	simm.s32 $0x100  }
0x269: {  	[tilespmem:s12], [sflag:$0x3] =	stream.indirect.gather [hbm4b:s4+s8], $0x40, s1, s8, $0xb8;
	[tilespmem:$0x1E500] =	vst v63  }
0x26a: {  	_ =	swait.ge [sflag:s13], $0x2000  }
0x26b: {  	[sflag:s13] =	ssyncset.done $0x0  }
0x26c: {  	s19 =	simm.s32 $0x4E80;
	[sflag:s13] =	ssyncadd.s32 $0xFFFFE000  }
0x26d: {  	[spmem:s5] =	stream.indirect.scatter.add.f32 [tilespmem:s9], [sflag:$0x4], $0x40, s19, s8, $0xb8;
	[tilespmem:$0x1E500] =	vst v63  }
0x26e: {  	_ =	swait.ge [sflag:s14], $0x2000  }
0x26f: {  	[sflag:s14] =	ssyncset.done $0x0  }
0x270: {  	s20 =	simm.s32 $0x4F00;
	[sflag:s14] =	ssyncadd.s32 $0xFFFFE000  }
0x271: {  	[spmem:s5] =	stream.indirect.scatter.add.f32 [tilespmem:s10], [sflag:$0x5], $0x40, s20, s8, $0xb8;
	[tilespmem:$0x1E500] =	vst v63  }
0x272: {  	_ =	swait.ge [sflag:s15], $0x2000  }
0x273: {  	[sflag:s15] =	ssyncset.done $0x0  }
0x274: {  	s22 =	simm.s32 $0x4F80;
	[sflag:s15] =	ssyncadd.s32 $0xFFFFE000  }
0x275: {  	[spmem:s5] =	stream.indirect.scatter.add.f32 [tilespmem:s12], [sflag:$0x6], $0x40, s22, s8, $0xb8;
	[tilespmem:$0x1E500] =	vst v63  }
0x276: {  	_ =	swait.ge [sflag:s16], $0x2000  }
0x277: {  	[sflag:s16] =	ssyncset.done $0x0  }
0x278: {  	s23 =	simm.s32 $0x180;
	[sflag:s16] =	ssyncadd.s32 $0xFFFFE000  }
0x279: {  	[tilespmem:s9], [sflag:$0x1] =	stream.indirect.gather [hbm4b:s4+s8], $0x40, s23, s8, $0xb8;
	[tilespmem:$0x1E500] =	vst v63  }
0x27a: {  	_ =	swait.ge [sflag:s17], $0x2000  }
0x27b: {  	[sflag:s17] =	ssyncset.done $0x0  }
0x27c: {  	s24 =	simm.s32 $0x200;
	[sflag:s17] =	ssyncadd.s32 $0xFFFFE000  }
0x27d: {  	[tilespmem:s10], [sflag:$0x2] =	stream.indirect.gather [hbm4b:s4+s8], $0x40, s24, s8, $0xb8;
	[tilespmem:$0x1E500] =	vst v63  }
0x27e: {  	_ =	swait.ge [sflag:s18], $0x2000  }
0x27f: {  	[sflag:s18] =	ssyncset.done $0x0  }
0x280: {  	s3 =	simm.s32 $0x280;
	s1 =	simm.s32 $0x600;
	[sflag:s18] =	ssyncadd.s32 $0xFFFFE000  }
.LBB2_12:
0x281: {  	[tilespmem:s12], [sflag:$0x3] =	stream.indirect.gather [hbm4b:s4+s8], $0x40, s3, s8, $0xb8;
	[tilespmem:$0x1E500] =	vst v63  }
0x282: {  	s3 =	smov.u32 s1;
	s1 =	sadd.s32 $0x600, s1;
	_ =	swait.ge [sflag:s13], $0x2000  }
0x283: {  	s3 =	sshra.s32 s3, $0x2;
	p0 =	sne.s32 s1, $0x12C00;
	[sflag:s13] =	ssyncset.done $0x0  }
0x284: {  	s11 =	sadd.s32 $0x4E80, s3;
	[sflag:s13] =	ssyncadd.s32 $0xFFFFE000  }
0x285: {  	[spmem:s5] =	stream.indirect.scatter.add.f32 [tilespmem:s9], [sflag:$0x4], $0x40, s11, s8, $0xb8;
	[tilespmem:$0x1E500] =	vst v63  }
0x286: {  	_ =	swait.ge [sflag:s14], $0x2000  }
0x287: {  	[sflag:s14] =	ssyncset.done $0x0  }
0x288: {  	s11 =	sadd.s32 $0x4F00, s3;
	[sflag:s14] =	ssyncadd.s32 $0xFFFFE000  }
0x289: {  	[spmem:s5] =	stream.indirect.scatter.add.f32 [tilespmem:s10], [sflag:$0x5], $0x40, s11, s8, $0xb8;
	[tilespmem:$0x1E500] =	vst v63  }
0x28a: {  	_ =	swait.ge [sflag:s15], $0x2000  }
0x28b: {  	[sflag:s15] =	ssyncset.done $0x0  }
0x28c: {  	s11 =	sadd.s32 $0x4F80, s3;
	[sflag:s15] =	ssyncadd.s32 $0xFFFFE000  }
0x28d: {  	[spmem:s5] =	stream.indirect.scatter.add.f32 [tilespmem:s12], [sflag:$0x6], $0x40, s11, s8, $0xb8;
	[tilespmem:$0x1E500] =	vst v63  }
0x28e: {  	_ =	swait.ge [sflag:s16], $0x2000  }
0x28f: {  	[sflag:s16] =	ssyncset.done $0x0  }
0x290: {  	s11 =	sadd.s32 $0x180, s3;
	[sflag:s16] =	ssyncadd.s32 $0xFFFFE000  }
0x291: {  	[tilespmem:s9], [sflag:$0x1] =	stream.indirect.gather [hbm4b:s4+s8], $0x40, s11, s8, $0xb8;
	[tilespmem:$0x1E500] =	vst v63  }
0x292: {  	_ =	swait.ge [sflag:s17], $0x2000  }
0x293: {  	[sflag:s17] =	ssyncset.done $0x0  }
.Ltmp5:
0x294: {  	s11 =	sadd.s32 $0x200, s3;
	[sflag:s17] =	ssyncadd.s32 $0xFFFFE000;
	(pc) =	sbr.rel @p0 .LBB2_12-.Ltmp5, $4  }
0x295: {  	[tilespmem:s10], [sflag:$0x2] =	stream.indirect.gather [hbm4b:s4+s8], $0x40, s11, s8, $0xb8;
	[tilespmem:$0x1E500] =	vst v63  }
0x296: {  	_ =	swait.ge [sflag:s18], $0x2000  }
0x297: {  	[sflag:s18] =	ssyncset.done $0x0  }
0x298: {  	s3 =	sadd.s32 $0x280, s3;
	[sflag:s18] =	ssyncadd.s32 $0xFFFFE000  }
0x299: {  	[tilespmem:s12], [sflag:$0x3] =	stream.indirect.gather [hbm4b:s4+s8], $0x40, s3, s8, $0xb8;
	[tilespmem:$0x1E500] =	vst v63  }
0x29a: {  	_ =	swait.ge [sflag:s13], $0x2000  }
0x29b: {  	s1 =	sshra.s32 s1, $0x2;
	[sflag:s13] =	ssyncset.done $0x0  }
0x29c: {  	s24 =	sadd.s32 $0x4E80, s1;
	[sflag:s13] =	ssyncadd.s32 $0xFFFFE000  }
0x29d: {  	[spmem:s5] =	stream.indirect.scatter.add.f32 [tilespmem:s9], [sflag:$0x4], $0x40, s24, s8, $0xb8;
	[tilespmem:$0x1E500] =	vst v63  }
0x29e: {  	_ =	swait.ge [sflag:s14], $0x2000  }
0x29f: {  	[sflag:s14] =	ssyncset.done $0x0  }
0x2a0: {  	s11 =	sadd.s32 $0x4F00, s1;
	[sflag:s14] =	ssyncadd.s32 $0xFFFFE000  }
0x2a1: {  	[spmem:s5] =	stream.indirect.scatter.add.f32 [tilespmem:s10], [sflag:$0x5], $0x40, s11, s8, $0xb8;
	[tilespmem:$0x1E500] =	vst v63  }
0x2a2: {  	_ =	swait.ge [sflag:s15], $0x2000  }
0x2a3: {  	[sflag:s15] =	ssyncset.done $0x0  }
0x2a4: {  	s1 =	sadd.s32 $0x4F80, s1;
	[sflag:s15] =	ssyncadd.s32 $0xFFFFE000  }
0x2a5: {  	[spmem:s5] =	stream.indirect.scatter.add.f32 [tilespmem:s12], [sflag:$0x6], $0x40, s1, s8, $0xb8;
	[tilespmem:$0x1E500] =	vst v63  }
0x2a6: {  	_ =	swait.ge [sflag:s16], $0x2000  }
0x2a7: {  	[sflag:s16] =	ssyncset.done $0x0  }
0x2a8: {  	s19 =	simm.s32 $0x4C80;
	[sflag:s16] =	ssyncadd.s32 $0xFFFFE000  }
0x2a9: {  	[tilespmem:s9], [sflag:$0x1] =	stream.indirect.gather [hbm4b:s4+s8], $0x40, s19, s8, $0xb8;
	[tilespmem:$0x1E500] =	vst v63  }
0x2aa: {  	_ =	swait.ge [sflag:s17], $0x2000  }
0x2ab: {  	[sflag:s17] =	ssyncset.done $0x0  }
0x2ac: {  	s20 =	simm.s32 $0x4D00;
	[sflag:s17] =	ssyncadd.s32 $0xFFFFE000  }
0x2ad: {  	[tilespmem:s10], [sflag:$0x2] =	stream.indirect.gather [hbm4b:s4+s8], $0x40, s20, s8, $0xb8;
	[tilespmem:$0x1E500] =	vst v63  }
0x2ae: {  	_ =	swait.ge [sflag:s18], $0x2000  }
0x2af: {  	[sflag:s18] =	ssyncset.done $0x0  }
0x2b0: {  	[sflag:s18] =	ssyncadd.s32 $0xFFFFE000  }
0x2b1: {  	[tilespmem:s12], [sflag:$0x3] =	stream.indirect.gather [hbm4b:s4+s8], $0x40, s21, s8, $0xb8;
	[tilespmem:$0x1E500] =	vst v63  }
0x2b2: {  	_ =	swait.ge [sflag:s13], $0x2000  }
0x2b3: {  	[sflag:s13] =	ssyncset.done $0x0  }
0x2b4: {  	s22 =	simm.s32 $0x9B00;
	[sflag:s13] =	ssyncadd.s32 $0xFFFFE000  }
0x2b5: {  	[spmem:s5] =	stream.indirect.scatter.add.f32 [tilespmem:s9], [sflag:$0x4], $0x40, s22, s8, $0xb8;
	[tilespmem:$0x1E500] =	vst v63  }
0x2b6: {  	_ =	swait.ge [sflag:s14], $0x2000  }
0x2b7: {  	[sflag:s14] =	ssyncset.done $0x0  }
0x2b8: {  	s23 =	simm.s32 $0x9B80;
	[sflag:s14] =	ssyncadd.s32 $0xFFFFE000  }
0x2b9: {  	[spmem:s5] =	stream.indirect.scatter.add.f32 [tilespmem:s10], [sflag:$0x5], $0x40, s23, s8, $0xb8;
	[tilespmem:$0x1E500] =	vst v63  }
0x2ba: {  	_ =	swait.ge [sflag:s15], $0x2000  }
0x2bb: {  	[sflag:s15] =	ssyncset.done $0x0  }
0x2bc: {  	s24 =	simm.s32 $0x9C00;
	[sflag:s15] =	ssyncadd.s32 $0xFFFFE000  }
0x2bd: {  	[spmem:s5] =	stream.indirect.scatter.add.f32 [tilespmem:s12], [sflag:$0x6], $0x40, s24, s8, $0xb8;
	[tilespmem:$0x1E500] =	vst v63  }
0x2be: {  	_ =	swait.ge [sflag:s16], $0x2000  }
0x2bf: {  	[sflag:s16] =	ssyncset.done $0x0  }
0x2c0: {  	[sflag:s16] =	ssyncadd.s32 $0xFFFFE000  }
0x2c1: {  	[tilespmem:s9], [sflag:$0x1] =	stream.indirect.gather [hbm4b:s4+s8], $0x40, s21, s8, $0xb8;
	[tilespmem:$0x1E500] =	vst v63  }
0x2c2: {  	_ =	swait.ge [sflag:s17], $0x2000  }
0x2c3: {  	[sflag:s17] =	ssyncset.done $0x0  }
0x2c4: {  	[sflag:s17] =	ssyncadd.s32 $0xFFFFE000  }
0x2c5: {  	[tilespmem:s10], [sflag:$0x2] =	stream.indirect.gather [hbm4b:s4+s8], $0x40, s21, s8, $0xb8;
	[tilespmem:$0x1E500] =	vst v63  }
0x2c6: {  	_ =	swait.ge [sflag:s18], $0x2000  }
0x2c7: {  	[sflag:s18] =	ssyncset.done $0x0  }
0x2c8: {  	[sflag:s18] =	ssyncadd.s32 $0xFFFFE000  }
0x2c9: {  	[tilespmem:s12], [sflag:$0x3] =	stream.indirect.gather [hbm4b:s4+s8], $0x40, s21, s8, $0xb8;
	[tilespmem:$0x1E500] =	vst v63  }
0x2ca: {  	_ =	swait.ge [sflag:s13], $0x2000  }
0x2cb: {  	[sflag:s13] =	ssyncset.done $0x0  }
0x2cc: {  	[sflag:s13] =	ssyncadd.s32 $0xFFFFE000  }
0x2cd: {  	_ =	swait.ge [sflag:s14], $0x2000  }
0x2ce: {  	[sflag:s14] =	ssyncset.done $0x0  }
0x2cf: {  	[sflag:s14] =	ssyncadd.s32 $0xFFFFE000  }
0x2d0: {  	_ =	swait.ge [sflag:s15], $0x2000  }
0x2d1: {  	[sflag:s15] =	ssyncset.done $0x0  }
0x2d2: {  	[sflag:s15] =	ssyncadd.s32 $0xFFFFE000  }
0x2d3: {  	[tilespmem:s9], [sflag:$0x7] =	stream.indirect.gather [hbm4b:s4+s8], $0x40, s25, s8, $0xb8;
	[tilespmem:$0x1E500] =	vst v63  }
0x2d4: {  	_ =	swait.ge [sflag:s26], $0x2000  }
0x2d5: {  	[sflag:s26] =	ssyncset.done $0x0  }
0x2d6: {  	[sflag:s26] =	ssyncadd.s32 $0xFFFFE000  }
0x2d7: {  	[spmem:s5] =	stream.indirect.scatter.add.f32 [tilespmem:s9], [sflag:$0x7], $0x40, s28, s8, $0xb8;
	[tilespmem:$0x1E500] =	vst v63  }
0x2d8: {  	_ =	swait.ge [sflag:s26], $0x2000  }
0x2d9: {  	[sflag:s26] =	ssyncset.done $0x0  }
0x2da: {  	[sflag:s26] =	ssyncadd.s32 $0xFFFFE000  }
0x2db: {  	s3 =	simm.s32 $0x0;
	[bflag:$0x0] =	sbarrier.arrive $0xFFFF  }
0x2dc: {  	s11 =	simm.s32 $0x0;
	s1 =	simm.s32 $0x0;
	[bflag:$0x0] =	sbarrier.arrive $0xFFFF  }
.LBB2_14:
0x2dd: {  	s19 =	sshll.u32 s11, $0x7  }
0x2de: {  	s19 =	sadd.s32 s2, s19  }
0x2df: {  	s20 =	sshll.u32 s19, $0x6  }
0x2e0: {  	s20 =	sand.u32 $0x3FFFFFC0, s20  }
0x2e1: {  	s20 =	sadd.s32 s20, s5  }
0x2e2: {  	[tilespmem:s10], [sflag:$0x7] =	stream.linear.gather [spmem:s20], $0x2000, $0x38;
	[tilespmem:$0x1E500] =	vst v63  }
0x2e3: {  	_ =	swait.ge [sflag:s26], $0x2000  }
0x2e4: {  	s22 =	sshll.u32 s19, $0x3;
	[sflag:s26] =	ssyncset.done $0x0  }
0x2e5: {  	s19 =	sadd.s32 s4, s22;
	[sflag:s26] =	ssyncadd.s32 $0xFFFFE000  }
0x2e6: {  	[tilespmem:s12], [sflag:$0x7] =	stream.linear.gather [hbm4b:s19+s1], $0x2000, $0x38;
	[tilespmem:$0x1E500] =	vst v63  }
0x2e7: {  	_ =	swait.ge [sflag:s26], $0x2000  }
0x2e8: {  	[sflag:s26] =	ssyncset.done $0x0  }
0x2e9: {  	s22 =	sadd.s32 s6, s22;
	[sflag:s26] =	ssyncadd.s32 $0xFFFFE000  }
0x2ea: {  	[tilespmem:s29], [sflag:$0x7] =	stream.linear.gather [hbm4b:s22+s1], $0x2000, $0x38;
	[tilespmem:$0x1E500] =	vst v63  }
0x2eb: {  	_ =	swait.ge [sflag:s26], $0x2000  }
0x2ec: {  	[sflag:s26] =	ssyncset.done $0x0  }
0x2ed: {  	[sflag:s26] =	ssyncadd.s32 $0xFFFFE000  }
0x2ee: {  	[spmem:s20] =	stream.linear.scatter [tilespmem:s30], [sflag:$0x7], $0x2000, $0x38;
	[tilespmem:$0x1E500] =	vst v63  }
0x2ef: {  	_ =	swait.ge [sflag:s26], $0x2000  }
0x2f0: {  	v0 =	vmov s3;
	[sflag:s26] =	ssyncset.done $0x0  }
0x2f1: {  	s20 =	simm.s32 $0x0;
	[sflag:s26] =	ssyncadd.s32 $0xFFFFE000  }
0x2f2: {  	v1 =	vld [tilespmem:s20+$0xFD00]  }
0x2f3: {  	v3 =	vld [tilespmem:s20+$0xBD00]  }
0x2f4: {  	v4 =	vld [tilespmem:s20+$0xBD10]  }
0x2f5: {  	v0 =	vld.idx.msk [tilespmem:v0+s31+$0x0], $0xffff  }
0x2f6: {  	v5 =	vld [tilespmem:s20+$0xBD20]  }
0x2f7: {  	v6 =	vld [tilespmem:s20+$0xBD30]  }
0x2f8: {  	v7 =	vld [tilespmem:s20+$0xDD00]  }
0x2f9: {  	v8 =	vld [tilespmem:s20+$0xDD10]  }
0x2fa: {  	v9 =	vld [tilespmem:s20+$0xDD20]  }
0x2fb: {  	v11 =	vld [tilespmem:s20+$0xDD30]  }
0x2fc: {  	v2 =	vld [tilespmem:s20+$0xFD10];
	v10 =	vmul.f32 $8.999999760e-01, v0  }
0x2fd: {  	v12 =	vld [tilespmem:s20+$0xFD20]  }
0x2fe: {  	v13 =	vmul.f32 $1.000000010e-01, v0;
	v3 =	vadd.f32 v7, v3;
	v7 =	vld [tilespmem:s20+$0xFD30];
	v10 =	vmul.f32 v10, v0  }
0x2ff: {  	v4 =	vadd.f32 v8, v4;
	v5 =	vadd.f32 v9, v5  }
0x300: {  	s22 =	sadd.s32 $0x1, s3;
	v6 =	vadd.f32 v11, v6;
	v1 =	vmul.f32 v1, v13;
	v3 =	vmul.f32 v3, v10  }
0x301: {  	v0 =	vmov s22;
	v8 =	vmul.f32 v2, v13;
	v4 =	vmul.f32 v4, v10  }
0x302: {  	v2 =	vadd.f32 v1, v3;
	v1 =	vmul.f32 v5, v10;
	v3 =	vmul.f32 v12, v13  }
0x303: {  	s23 =	simm.s32 $0x40;
	s24 =	simm.s32 $0x200;
	v5 =	vadd.f32 v8, v4;
	v4 =	vmul.f32 v6, v10;
	v6 =	vmul.f32 v7, v13  }
.LBB2_15:
0x304: {  	p0 =	sne.s32 s24, $0x7F00;
	v7 =	vld [tilespmem:s23+$0xFD00];
	[tilespmem:s20+$0xDD00] =	vst v2;
	v1 =	vadd.f32 v3, v1  }
0x305: {  	v2 =	vld [tilespmem:s23+$0xFD10];
	[tilespmem:s20+$0xDD10] =	vst v5;
	v3 =	vadd.f32 v6, v4  }
0x306: {  	v4 =	vld [tilespmem:s23+$0xBD00];
	[tilespmem:s20+$0xDD20] =	vst v1  }
0x307: {  	v1 =	vld [tilespmem:s23+$0xBD10];
	[tilespmem:s20+$0xDD30] =	vst v3;
	s20 =	smov.u32 s23  }
0x308: {  	v0 =	vld.idx.msk [tilespmem:v0+s31+$0x0], $0xffff  }
0x309: {  	v3 =	vld [tilespmem:s20+$0xBD20]  }
0x30a: {  	v5 =	vld [tilespmem:s20+$0xBD30]  }
0x30b: {  	v6 =	vld [tilespmem:s20+$0xDD00]  }
0x30c: {  	v8 =	vld [tilespmem:s20+$0xDD10]  }
0x30d: {  	v9 =	vld [tilespmem:s20+$0xDD20]  }
0x30e: {  	v10 =	vmul.f32 $8.999999760e-01, v0;
	v11 =	vld [tilespmem:s20+$0xDD30]  }
0x30f: {  	v12 =	vld [tilespmem:s20+$0xFD20]  }
0x310: {  	s22 =	sadd.s32 $0x1, s22;
	v13 =	vmul.f32 $1.000000010e-01, v0;
	v10 =	vmul.f32 v10, v0;
	v4 =	vadd.f32 v6, v4;
	v6 =	vld [tilespmem:s20+$0xFD30]  }
.Ltmp6:
0x311: {  	v0 =	vmov s22;
	v1 =	vadd.f32 v8, v1;
	(pc) =	sbr.rel @p0 .LBB2_15-.Ltmp6, $4  }
0x312: {  	v7 =	vmul.f32 v7, v13;
	v4 =	vmul.f32 v4, v10;
	v3 =	vadd.f32 v9, v3  }
0x313: {  	v9 =	vmul.f32 v2, v13;
	v8 =	vmul.f32 v1, v10;
	v11 =	vadd.f32 v11, v5  }
0x314: {  	v2 =	vadd.f32 v7, v4;
	v1 =	vmul.f32 v3, v10;
	v3 =	vmul.f32 v12, v13  }
0x315: {  	s23 =	sshra.s32 s24, $0x2;
	s24 =	sadd.s32 $0x100, s24;
	v5 =	vadd.f32 v9, v8;
	v4 =	vmul.f32 v11, v10;
	v6 =	vmul.f32 v6, v13  }
0x316: {  	v7 =	vld [tilespmem:s23+$0xFD00];
	[tilespmem:s20+$0xDD00] =	vst v2;
	v1 =	vadd.f32 v3, v1  }
0x317: {  	v2 =	vld [tilespmem:s23+$0xFD10];
	[tilespmem:s20+$0xDD10] =	vst v5;
	v4 =	vadd.f32 v6, v4  }
0x318: {  	v58 =	vld [tilespmem:s23+$0xBD00];
	[tilespmem:s20+$0xDD20] =	vst v1  }
0x319: {  	v1 =	vld [tilespmem:s23+$0xBD10];
	[tilespmem:s20+$0xDD30] =	vst v4  }
0x31a: {  	v0 =	vld.idx.msk [tilespmem:v0+s31+$0x0], $0xffff  }
0x31b: {  	v4 =	vld [tilespmem:s23+$0xBD20]  }
0x31c: {  	v5 =	vld [tilespmem:s23+$0xBD30]  }
0x31d: {  	v59 =	vld [tilespmem:s23+$0xDD00]  }
0x31e: {  	v8 =	vld [tilespmem:s23+$0xDD10]  }
0x31f: {  	v9 =	vld [tilespmem:s23+$0xDD20]  }
0x320: {  	v11 =	vld [tilespmem:s23+$0xDD30];
	v10 =	vmul.f32 $8.999999760e-01, v0  }
0x321: {  	v12 =	vld [tilespmem:s23+$0xFD20]  }
0x322: {  	v60 =	vld [tilespmem:s23+$0xFD30];
	v3 =	vadd.f32 v59, v58;
	v10 =	vmul.f32 v10, v0;
	v0 =	vmul.f32 $1.000000010e-01, v0  }
0x323: {  	v1 =	vadd.f32 v8, v1  }
0x324: {  	v4 =	vadd.f32 v9, v4;
	v3 =	vmul.f32 v3, v10;
	v7 =	vmul.f32 v7, v0  }
0x325: {  	v5 =	vadd.f32 v11, v5;
	v1 =	vmul.f32 v1, v10;
	v2 =	vmul.f32 v2, v0  }
0x326: {  	v4 =	vmul.f32 v4, v10;
	v61 =	vmul.f32 v12, v0;
	v3 =	vadd.f32 v7, v3  }
0x327: {  	v62 =	vmul.f32 v5, v10;
	v0 =	vmul.f32 v60, v0;
	v1 =	vadd.f32 v2, v1  }
0x328: {  	v63 =	vadd.f32 v61, v4;
	[tilespmem:s23+$0xDD00] =	vst v3  }
0x329: {  	s11 =	sadd.s32 $0x1, s11;
	v0 =	vadd.f32 v0, v62;
	[tilespmem:s23+$0xDD10] =	vst v1  }
0x32a: {  	p0 =	sne.s32 s11, $0x5;
	[tilespmem:s23+$0xDD20] =	vst v63  }
.Ltmp7:
0x32b: {  	[tilespmem:s23+$0xDD30] =	vst v0;
	(pc) =	sbr.rel @p0 .LBB2_14-.Ltmp7, $4  }
0x32c: {  	[hbm4b:s19+s7] =	stream.linear.scatter [tilespmem:s12], [sflag:$0x7], $0x2000, $0x38;
	[tilespmem:$0x1E500] =	vst v63  }
0x32d: {  	_ =	swait.ge [sflag:s26], $0x2000  }
0x32e: {  	[sflag:s26] =	ssyncset.done $0x0  }
0x32f: {  	s3 =	sadd.s32 $0x80, s3;
	[sflag:s26] =	ssyncadd.s32 $0xFFFFE000  }
0x330: {  	s0 =	sadd.s32 $0x1, s0  }
0x331: {  	p0 =	sne.s32 s0, $0xA  }
.Ltmp8:
0x332: {  	_ = 	snop;
	(pc) =	sbr.rel @p0 .LBB2_11-.Ltmp8, $2  }
0x333: {  	_ =	sdelay $0x1  }
0x334: {  	[bflag:$0x0] =	sbarrier.arrive $0xFFFF;
	_ =	sdelay $0x1  }
0x335: {  	s0 =	simm.s32 $0x0;
	s1 =	simm.s32 $0xDD00  }
0x336: {  	s3 =	simm.s32 $0x7;
	s5 =	simm.s32 $0x13F80;
	s6 =	simm.s32 $0x13D00  }
0x337: {  	s7 =	simm.s32 $0x0;
	s8 =	simm.s32 $0x0;
	s13 =	rddreg [dreg:$0x5]  }
.LBB2_19:
0x338: {  	s9 =	sshll.u32 s8, $0x7  }
0x339: {  	s9 =	sadd.s32 s2, s9  }
0x33a: {  	s10 =	sadd.s32 $0x0, s7;
	s9 =	sshll.u32 s9, $0x3  }
0x33b: {  	v0 =	vmov s10;
	s11 =	sadd.s32 s4, s9  }
0x33c: {  	[tilespmem:s1], [sflag:$0x7] =	stream.linear.gather [hbm4b:s11+s0], $0x2000, $0x38;
	[tilespmem:$0x1E500] =	vst v63  }
0x33d: {  	_ =	swait.ge [sflag:s3], $0x2000  }
0x33e: {  	[sflag:s3] =	ssyncset.done $0x0  }
0x33f: {  	[sflag:s3] =	ssyncadd.s32 $0xFFFFE000  }
0x340: {  	v1 =	vld.idx.msk [tilespmem:v0+s6+$0x0], $0xffff  }
0x341: {  	s10 =	simm.s32 $0xDD20;
	v0 =	vld.idx.msk [tilespmem:v0+s5+$0x0], $0xffff  }
0x342: {  	v3 =	vld [tilespmem:s10+$0xFFFFFFF0]  }
0x343: {  	v5 =	vld [tilespmem:s10+$0x10]  }
0x344: {  	v2 =	vld [tilespmem:s10+$0xFFFFFFE0]  }
0x345: {  	v4 =	vld [tilespmem:s10+$0x0];
	_ =	sdelay $0x1  }
0x346: {  	v6 =	vmul.f32 v1, v0;
	_ =	sdelay $0x1  }
0x347: {  	s31 =	sadd.s32 $0x1, s7;
	v2 =	vmul.f32 v6, v2;
	v1 =	vmul.f32 v3, v6  }
0x348: {  	s11 =	simm.s32 $0x2;
	v0 =	vmov s31;
	v4 =	vmul.f32 v4, v6;
	v3 =	vmul.f32 v5, v6  }
.LBB2_20:
0x349: {  	p0 =	sne.s32 s11, $0x7F;
	[tilespmem:s10+$0xFFFFFFE0] =	vst v2  }
0x34a: {  	[tilespmem:s10+$0xFFFFFFF0] =	vst v1  }
0x34b: {  	[tilespmem:s10+$0x0] =	vst v4  }
0x34c: {  	[tilespmem:s10+$0x10] =	vst v3  }
0x34d: {  	v1 =	vld.idx.msk [tilespmem:v0+s6+$0x0], $0xffff  }
0x34e: {  	s10 =	sadd.s32 $0x40, s10;
	v0 =	vld.idx.msk [tilespmem:v0+s5+$0x0], $0xffff  }
0x34f: {  	v3 =	vld [tilespmem:s10+$0xFFFFFFF0]  }
0x350: {  	v5 =	vld [tilespmem:s10+$0x10]  }
0x351: {  	v2 =	vld [tilespmem:s10+$0xFFFFFFE0]  }
0x352: {  	v4 =	vld [tilespmem:s10+$0x0]  }
.Ltmp9:
0x353: {  	(pc) =	sbr.rel @p0 .LBB2_20-.Ltmp9, $3  }
0x354: {  	v6 =	vmul.f32 v1, v0;
	_ =	sdelay $0x1  }
0x355: {  	s12 =	sadd.s32 s11, s7;
	v1 =	vmul.f32 v3, v6;
	v2 =	vmul.f32 v6, v2  }
0x356: {  	s11 =	sadd.s32 $0x1, s11;
	v0 =	vmov s12;
	v3 =	vmul.f32 v5, v6;
	v4 =	vmul.f32 v4, v6  }
0x357: {  	[tilespmem:s10+$0xFFFFFFE0] =	vst v2  }
0x358: {  	[tilespmem:s10+$0xFFFFFFF0] =	vst v1  }
0x359: {  	[tilespmem:s10+$0x0] =	vst v4  }
0x35a: {  	[tilespmem:s10+$0x10] =	vst v3  }
0x35b: {  	v1 =	vld.idx.msk [tilespmem:v0+s6+$0x0], $0xffff  }
0x35c: {  	v61 =	vld.idx.msk [tilespmem:v0+s5+$0x0], $0xffff  }
0x35d: {  	s31 =	sadd.s32 $0x40, s10  }
0x35e: {  	v2 =	vld [tilespmem:s31+$0xFFFFFFE0]  }
0x35f: {  	v3 =	vld [tilespmem:s31+$0xFFFFFFF0]  }
0x360: {  	v4 =	vld [tilespmem:s31+$0x0]  }
0x361: {  	v5 =	vld [tilespmem:s31+$0x10];
	v0 =	vmul.f32 v1, v61;
	_ =	sdelay $0x1  }
0x362: {  	v1 =	vmul.f32 v0, v2  }
0x363: {  	v62 =	vmul.f32 v3, v0  }
0x364: {  	v63 =	vmul.f32 v4, v0;
	[tilespmem:s31+$0xFFFFFFE0] =	vst v1  }
0x365: {  	s8 =	sadd.s32 $0x1, s8;
	v0 =	vmul.f32 v5, v0;
	[tilespmem:s31+$0xFFFFFFF0] =	vst v62  }
0x366: {  	p0 =	sne.s32 s8, $0x5;
	[tilespmem:s31+$0x0] =	vst v63  }
.Ltmp10:
0x367: {  	s9 =	sadd.s32 s13, s9;
	[tilespmem:s31+$0x10] =	vst v0;
	(pc) =	sbr.rel @p0 .LBB2_19-.Ltmp10, $4  }
0x368: {  	[hbm4b:s9+s0] =	stream.linear.scatter [tilespmem:s1], [sflag:$0x7], $0x2000, $0x38;
	[tilespmem:$0x1E500] =	vst v63  }
0x369: {  	_ =	swait.ge [sflag:s3], $0x2000  }
0x36a: {  	[sflag:s3] =	ssyncset.done $0x0  }
0x36b: {  	s7 =	sadd.s32 $0x80, s7;
	[sflag:s3] =	ssyncadd.s32 $0xFFFFE000  }
0x36c: {  	_ =	sfence.sel $0x180000  }
0x36d: {  	[bflag:$0x0] =	sbarrier.arrive $0xFFFF  }
0x36e: {  	_ =	strace $0x90000047  }
0x36f: {  	s0 =	stileid.u32;
	[bflag:$0x2] =	sbarrier.arrive $0xFFFF  }
0x370: {  	p0 =	sne.s32 s0, $0x0;
	s0 =	rddreg [dreg:$0x4]  }
0x371: {  	s0 =	sadd.s32 @!p0 $0x100000, s0  }
0x372: {  	[sflag:s0] =	ssyncadd.tile.s32 @!p0 $0x1;
	_ =	shalt  }
.Lfunc_end2:
_tile_overlayer_lowered:
.L_overlay_start_2:
0x373: {  	(tag) =	ssettag $0x2  }
0x374: {  	s0 =	rddreg [dreg:$0x0];
	s2 =	stileid.u32  }
0x375: {  	s1 =	rddreg [dreg:$0x1];
	p0 =	sne.s32 s2, $0x0  }
0x376: {  	s3 =	rddreg [dreg:$0x2];
	[bflag:$0x3] =	sbarrier.arrive $0xFFFF;
	s2 =	simm.s32 @!p0 $0x1C07  }
0x377: {  	[timem:s3], [sflag:s2] =	dma.local @!p0 [hbm:s0], s1  }
0x378: {  	s0 =	simm.s32 @!p0 $0x7  }
0x379: {  	_ =	swait.ge @!p0 [sflag:s0], s1  }
0x37a: {  	s1 =	ssub.s32 @!p0 $0x0, s1;
	[sflag:s0] =	ssyncset.done @!p0 $0x0  }
0x37b: {  	[sflag:s0] =	ssyncadd.s32 @!p0 s1  }
0x37c: {  	[bflag:$0x3] =	sbarrier.arrive $0xFFFF  }
0x37d: {  	_ =	shalt  }

</sc_bundles>
